<compile_context>
chip_gen: v7x
topology: tpu7x:2x2x1
jax: 0.10.2.dev20260603
libtpu: 0.0.44.dev20260713+nightly
codegen_flags: <defaults>
</compile_context>

<pallas_src>
import functools

import numpy as np
import jax
import jax.numpy as jnp
from jax import lax
from jax.experimental import pallas as pl
from jax.experimental.pallas import tpu as pltpu
from jax.experimental.pallas import tpu_sc as plsc

N = 65536
E = 8
H = 128
GEO = 15
APP = 32
LP = 10
LD = 4

BR = 256
NBR = N // BR
BM = 256
NPAD = N + E * BM
NPB = NPAD // BM
NPB_PAD = ((NPB + 15) // 16) * 16
NC, NS = 2, 16
NW = NC * NS
ROWS_W = N // NW
CH = 128
NCH = ROWS_W // CH


def _make_sel(L):
    sel = np.zeros((3, 64), np.float32)
    off = np.zeros((1, 64), np.float32)
    for j in range(3):
        sel[j, j] = 1.0
    for l in range(L):
        for k in range(6):
            c = 3 + 6 * l + k
            sel[k % 3, c] = float(2.0 ** l)
            if k >= 3:
                off[0, c] = np.pi / 2.0
    return sel, off


_SEL1, _OFF1 = _make_sel(LP)
_SEL2, _OFF2 = _make_sel(LD)


def _twopi_split():
    v = np.float64(2.0 * np.pi)
    parts = []
    for _ in range(2):
        f = np.float32(v)
        hi = np.uint32(f.view(np.uint32) & np.uint32(0xFFFFF000)).view(np.float32)
        parts.append(hi)
        v = v - np.float64(hi)
    parts.append(np.float32(v))
    return [float(p) for p in parts]


_P1, _P2, _P3 = _twopi_split()
_INV2PI = float(np.float32(1.0 / (2.0 * np.pi)))


def _sin_accurate(x):
    k = jnp.floor(x * _INV2PI + 0.5)
    r = ((x - k * _P1) - k * _P2) - k * _P3
    r2 = r * r
    p = -1.0 / 1307674368000.0
    p = p * r2 + 1.0 / 6227020800.0
    p = p * r2 - 1.0 / 39916800.0
    p = p * r2 + 1.0 / 362880.0
    p = p * r2 - 1.0 / 5040.0
    p = p * r2 + 1.0 / 120.0
    p = p * r2 - 1.0 / 6.0
    return r + r * r2 * p
_LTRI = np.tril(np.ones((BR, BR), np.float32), k=-1)
_TRIU = np.triu(np.ones((16, 16), np.float32))


def _route_body(pos_ref, dir_ref, app_ref, ct_ref, sel1_ref, off1_ref,
                sel2_ref, off2_ref, ltri_ref, triu_ref,
                enc_ref, a_ref, r_ref, pexcl_ref, bexp_ref, carry_ref):
    i = pl.program_id(0)
    pos = pos_ref[...]
    dirs = dir_ref[...]

    d2 = jnp.zeros((BR, E), jnp.float32)
    for j in range(3):
        t = pos[:, j:j + 1] - ct_ref[j:j + 1, :]
        d2 = d2 + t * t
    mn = jnp.min(d2, axis=1, keepdims=True)
    ee8 = lax.broadcasted_iota(jnp.int32, (BR, E), 1)
    assign = jnp.min(jnp.where(d2 <= mn, ee8, E), axis=1, keepdims=True)

    ee16 = lax.broadcasted_iota(jnp.int32, (BR, 16), 1)
    hmat = (assign == ee16).astype(jnp.float32)

    @pl.when(i == 0)
    def _init():
        carry_ref[...] = jnp.zeros_like(carry_ref)

    c0 = carry_ref[...]
    excl = jnp.dot(ltri_ref[...], hmat, preferred_element_type=jnp.float32)
    r = jnp.sum((excl + c0) * hmat, axis=1, keepdims=True)
    a_ref[...] = assign
    r_ref[...] = r.astype(jnp.int32)
    cnew = c0 + jnp.sum(hmat, axis=0, keepdims=True)
    carry_ref[...] = cnew

    @pl.when(i == NBR - 1)
    def _final():
        padded = jnp.floor((cnew + (BM - 1)) * (1.0 / BM)) * BM
        incl = jnp.dot(padded, triu_ref[...],
                       preferred_element_type=jnp.float32)
        pexcl_ref[...] = (incl - padded).astype(jnp.int32)
        inc_i = incl.astype(jnp.int32)
        kbm = lax.broadcasted_iota(jnp.int32, (1, NPB_PAD), 1) * BM
        acc = jnp.zeros((1, NPB_PAD), jnp.int32)
        for e in range(E - 1):
            acc = acc + (kbm >= inc_i[:, e:e + 1]).astype(jnp.int32)
        bexp_ref[...] = acc

    col = lax.broadcasted_iota(jnp.int32, (BR, 64), 1)
    sinm = ((col - 3) % 6) < 3
    x1 = jnp.dot(pos, sel1_ref[...], preferred_element_type=jnp.float32,
                 precision=lax.Precision.HIGHEST)
    e1 = jnp.where(col < 3, x1,
                   jnp.where(sinm, jnp.sin(x1), jnp.cos(x1)))
    e1 = jnp.where(col == 63, 1.0, e1)
    x2 = jnp.dot(dirs, sel2_ref[...], preferred_element_type=jnp.float32,
                 precision=lax.Precision.HIGHEST)
    e2 = jnp.where(col < 3, x2,
                   jnp.where(sinm, jnp.sin(x2), jnp.cos(x2)))
    e2 = jnp.where(col == 31, 1.0, e2)
    enc_ref[...] = jnp.concatenate([e1, e2[:, :32], app_ref[...]], axis=1)


def _route_stage(positions, directions, appearance_embedding, centroids):
    return pl.pallas_call(
        _route_body,
        grid=(NBR,),
        in_specs=[
            pl.BlockSpec((BR, 3), lambda i: (i, 0)),
            pl.BlockSpec((BR, 3), lambda i: (i, 0)),
            pl.BlockSpec((BR, APP), lambda i: (i, 0)),
            pl.BlockSpec((3, E), lambda i: (0, 0)),
            pl.BlockSpec((3, 64), lambda i: (0, 0)),
            pl.BlockSpec((1, 64), lambda i: (0, 0)),
            pl.BlockSpec((3, 64), lambda i: (0, 0)),
            pl.BlockSpec((1, 64), lambda i: (0, 0)),
            pl.BlockSpec((BR, BR), lambda i: (0, 0)),
            pl.BlockSpec((16, 16), lambda i: (0, 0)),
        ],
        out_specs=[
            pl.BlockSpec((BR, 128), lambda i: (i, 0)),
            pl.BlockSpec((BR, 1), lambda i: (i, 0)),
            pl.BlockSpec((BR, 1), lambda i: (i, 0)),
            pl.BlockSpec((1, 16), lambda i: (0, 0)),
            pl.BlockSpec((1, NPB_PAD), lambda i: (0, 0)),
        ],
        out_shape=[
            jax.ShapeDtypeStruct((N, 128), jnp.float32),
            jax.ShapeDtypeStruct((N, 1), jnp.int32),
            jax.ShapeDtypeStruct((N, 1), jnp.int32),
            jax.ShapeDtypeStruct((1, 16), jnp.int32),
            jax.ShapeDtypeStruct((1, NPB_PAD), jnp.int32),
        ],
        scratch_shapes=[pltpu.VMEM((1, 16), jnp.float32)],
    )(positions, directions, appearance_embedding,
      centroids.T, jnp.asarray(_SEL1), jnp.asarray(_OFF1),
      jnp.asarray(_SEL2), jnp.asarray(_OFF2),
      jnp.asarray(_LTRI), jnp.asarray(_TRIU))


def _finalize_body(a_ref, r_ref, pexcl_ref, dst_ref):
    ee16 = lax.broadcasted_iota(jnp.int32, (BR, 16), 1)
    hm = (a_ref[...] == ee16).astype(jnp.int32)
    dst_ref[...] = r_ref[...] + jnp.sum(
        hm * pexcl_ref[...], axis=1, keepdims=True)


def _finalize_stage(a2, r2, pexcl):
    return pl.pallas_call(
        _finalize_body,
        grid=(NBR,),
        in_specs=[
            pl.BlockSpec((BR, 1), lambda i: (i, 0)),
            pl.BlockSpec((BR, 1), lambda i: (i, 0)),
            pl.BlockSpec((1, 16), lambda i: (0, 0)),
        ],
        out_specs=pl.BlockSpec((BR, 1), lambda i: (i, 0)),
        out_shape=jax.ShapeDtypeStruct((N, 1), jnp.int32),
    )(a2, r2, pexcl)


def _mlp_body(be_ref, enc_ref, w1_ref, w2_ref, db2_ref, wc_ref, wg_ref,
              cw_ref, bw_ref, out_ref):
    enc = enc_ref[...]
    e1 = enc[:, :64]
    e2 = enc[:, 64:]
    h = jnp.maximum(
        jnp.dot(e1, w1_ref[0], preferred_element_type=jnp.float32), 0.0)
    out16 = jnp.dot(h, w2_ref[0], preferred_element_type=jnp.float32) + db2_ref[0]
    hc = jnp.maximum(
        jnp.dot(e2, wc_ref[0], preferred_element_type=jnp.float32)
        + jnp.dot(out16, wg_ref[0], preferred_element_type=jnp.float32), 0.0)
    pre = jnp.dot(hc, cw_ref[0], preferred_element_type=jnp.float32) + bw_ref[0]
    colm = lax.broadcasted_iota(jnp.int32, (BM, 128), 1) == 0
    prew = jnp.where(colm, out16[:, :1], pre)
    res = jnp.where(colm,
                    jnp.exp(jnp.clip(prew, -15.0, 15.0)),
                    jax.nn.sigmoid(prew))
    out_ref[...] = res


def _mlp_call(be, sorted_enc, w1p, w2p, db2_3, wc1da, wg16, cw, bw):
    grid_spec = pltpu.PrefetchScalarGridSpec(
        num_scalar_prefetch=1,
        grid=(NPB,),
        in_specs=[
            pl.BlockSpec((BM, 128), lambda i, be: (i, 0)),
            pl.BlockSpec((1, 64, H), lambda i, be: (be[i], 0, 0)),
            pl.BlockSpec((1, H, 16), lambda i, be: (be[i], 0, 0)),
            pl.BlockSpec((1, 1, 16), lambda i, be: (be[i], 0, 0)),
            pl.BlockSpec((1, 64, H), lambda i, be: (be[i], 0, 0)),
            pl.BlockSpec((1, 16, H), lambda i, be: (be[i], 0, 0)),
            pl.BlockSpec((1, H, 128), lambda i, be: (be[i], 0, 0)),
            pl.BlockSpec((1, 1, 128), lambda i, be: (be[i], 0, 0)),
        ],
        out_specs=pl.BlockSpec((BM, 128), lambda i, be: (i, 0)),
    )
    return pl.pallas_call(
        _mlp_body,
        grid_spec=grid_spec,
        out_shape=jax.ShapeDtypeStruct((NPAD, 128), jnp.float32),
    )(be, sorted_enc, w1p, w2p, db2_3, wc1da, wg16, cw, bw)


def _dispatch_body(dst_hbm, enc_hbm, sorted_hbm, d_v, enc_v, sem):
    wid = lax.axis_index("s") * NC + lax.axis_index("c")
    base0 = wid * ROWS_W

    def chunk(ci, carry):
        base = base0 + ci * CH
        pltpu.sync_copy(dst_hbm.at[pl.ds(base, CH)], d_v)
        pltpu.sync_copy(enc_hbm.at[pl.ds(base, CH), :], enc_v)
        pltpu.async_copy(enc_v, sorted_hbm.at[d_v], sem).wait()
        return carry

    lax.fori_loop(0, NCH, chunk, 0)


def _combine_body(dst_hbm, sres_hbm, out_hbm, idx_v, rows_v, sem):
    wid = lax.axis_index("s") * NC + lax.axis_index("c")
    base0 = wid * ROWS_W

    def chunk(ci, carry):
        base = base0 + ci * CH
        pltpu.sync_copy(dst_hbm.at[pl.ds(base, CH)], idx_v)
        pltpu.async_copy(sres_hbm.at[idx_v], rows_v, sem).wait()
        pltpu.sync_copy(rows_v, out_hbm.at[pl.ds(base, CH), :])
        return carry

    lax.fori_loop(0, NCH, chunk, 0)


@functools.lru_cache(maxsize=None)
def _sc_calls():
    mesh = plsc.VectorSubcoreMesh(
        core_axis_name="c", subcore_axis_name="s",
        num_cores=NC, num_subcores=NS)
    dispatch = pl.kernel(
        _dispatch_body,
        out_type=jax.ShapeDtypeStruct((NPAD, 128), jnp.float32),
        mesh=mesh,
        scratch_types=[
            pltpu.VMEM((CH,), jnp.int32),
            pltpu.VMEM((CH, 128), jnp.float32),
            pltpu.SemaphoreType.DMA,
        ],
    )
    combine = pl.kernel(
        _combine_body,
        out_type=jax.ShapeDtypeStruct((N, 128), jnp.float32),
        mesh=mesh,
        scratch_types=[
            pltpu.VMEM((CH,), jnp.int32),
            pltpu.VMEM((CH, 128), jnp.float32),
            pltpu.SemaphoreType.DMA,
        ],
    )
    return dispatch, combine


def kernel(positions, directions, appearance_embedding, centroids,
           dW1, db1, dW2, db2, cW1, cb1, cW2, cb2):
    w1p = jnp.concatenate([dW1, db1[:, None, :]], axis=1)
    w2p = dW2
    db2_3 = db2[:, None, :]
    wc1da = jnp.concatenate([
        cW1[:, :27], jnp.zeros((E, 4, H), jnp.float32),
        cb1[:, None, :], cW1[:, 42:74]], axis=1)
    wg16 = jnp.concatenate([
        jnp.zeros((E, 1, H), jnp.float32), cW1[:, 27:42]], axis=1)
    cw = jnp.concatenate([
        jnp.zeros((E, H, 1), jnp.float32), cW2,
        jnp.zeros((E, H, 124), jnp.float32)], axis=2)
    bw = jnp.concatenate([
        jnp.zeros((E, 1), jnp.float32), cb2,
        jnp.zeros((E, 124), jnp.float32)], axis=1)[:, None, :]

    enc, a2, r2, pexcl, bexp = _route_stage(
        positions, directions, appearance_embedding, centroids)

    dst = _finalize_stage(a2, r2, pexcl).reshape(N)

    _dispatch_call, _combine_call = _sc_calls()
    sorted_enc = _dispatch_call(dst, enc)

    sres = _mlp_call(bexp.reshape(NPB_PAD), sorted_enc,
                     w1p, w2p, db2_3, wc1da, wg16, cw, bw)

    outg = _combine_call(dst, sres)
    return outg[:, :1], outg[:, 1:4]

# --- scband reference (transcript-rebuilt; emitter-appended) ---
"""Pipeline reference for scband-i-ngpfield-ms-17119739642233 (READ-ONLY COPY).

The authoritative reference and input builder live on the scoring server;
editing this copy changes nothing except your own understanding.
"""

import jax, jax.numpy as jnp
import numpy as np

N = 65536
E = 8
H = 128
GEO = 15
APP = 32
LP = 10
LD = 4
DIN = 3 + 2 * LP * 3
CIN = 3 + 2 * LD * 3 + GEO + APP


def freq_enc(x, L):
    freqs = 2.0 ** jnp.arange(L, dtype=x.dtype)
    xb = x[..., None, :] * freqs[:, None]
    enc = jnp.concatenate([jnp.sin(xb), jnp.cos(xb)], axis=-1)
    enc = enc.reshape(x.shape[:-1] + (-1,))
    return jnp.concatenate([x, enc], axis=-1)


def setup_inputs(seed: int = 0):
    key = jax.random.key(seed)
    ks = jax.random.split(key, 12)
    positions = jax.random.uniform(ks[0], (N, 3), dtype=jnp.float32)
    directions = jax.random.normal(ks[1], (N, 3), dtype=jnp.float32)
    directions = directions / (jnp.linalg.norm(directions, axis=-1, keepdims=True) + 1e-8)
    appearance_embedding = jax.random.normal(ks[2], (N, APP), dtype=jnp.float32) * 0.1
    centroids = jax.random.uniform(ks[3], (E, 3), dtype=jnp.float32)
    dW1 = jax.random.normal(ks[4], (E, DIN, H), dtype=jnp.float32) / np.sqrt(DIN)
    db1 = jnp.zeros((E, H), dtype=jnp.float32)
    dW2 = jax.random.normal(ks[5], (E, H, 1 + GEO), dtype=jnp.float32) / np.sqrt(H)
    db2 = jnp.zeros((E, 1 + GEO), dtype=jnp.float32)
    cW1 = jax.random.normal(ks[6], (E, CIN, H), dtype=jnp.float32) / np.sqrt(CIN)
    cb1 = jnp.zeros((E, H), dtype=jnp.float32)
    cW2 = jax.random.normal(ks[7], (E, H, 3), dtype=jnp.float32) / np.sqrt(H)
    cb2 = jnp.zeros((E, 3), dtype=jnp.float32)
    return {"positions": positions, "directions": directions, "appearance_embedding": appearance_embedding, "centroids": centroids, "dW1": dW1, "db1": db1, "dW2": dW2, "db2": db2, "cW1": cW1, "cb1": cb1, "cW2": cW2, "cb2": cb2}


def reference(positions, directions, appearance_embedding, centroids, dW1, db1, dW2, db2, cW1, cb1, cW2, cb2):
    # route each sample to its nearest centroid (cdist + argmin)
    d2 = jnp.sum((positions[:, None, :] - centroids[None, :, :]) ** 2, axis=-1)
    assign = jnp.argmin(d2, axis=1)
    pos_enc = freq_enc(positions, LP)
    dir_enc = freq_enc(directions, LD)

    def field_fwd(w):
        dW1_, db1_, dW2_, db2_, cW1_, cb1_, cW2_, cb2_ = w
        h = jax.nn.relu(pos_enc @ dW1_ + db1_)
        out = h @ dW2_ + db2_
        density = jnp.exp(jnp.clip(out[:, :1], -15.0, 15.0))
        geo = out[:, 1:]
        cin = jnp.concatenate([dir_enc, geo, appearance_embedding], axis=-1)
        hc = jax.nn.relu(cin @ cW1_ + cb1_)
        rgb = jax.nn.sigmoid(hc @ cW2_ + cb2_)
        return density, rgb

    dens_all, rgb_all = jax.vmap(field_fwd)((dW1, db1, dW2, db2, cW1, cb1, cW2, cb2))
    idx = jnp.arange(positions.shape[0])
    density = dens_all[assign, idx]
    rgb = rgb_all[assign, idx]
    return density, rgb

if __name__ == "__main__":
    import jax
    _d = setup_inputs()
    print(jax.jit(kernel)(*tuple(_d.values())))

</pallas_src>

<mosaic_0001>
#map = affine_map<(d0, d1) -> (0)>
#map1 = affine_map<(d0, d1) -> (0, 0)>
module attributes {stable_mosaic.version = 14 : i64} {
  func.func @_combine_body(%arg0: i32, %arg1: i32, %arg2: memref<65536xi32, #tpu.memory_space<hbm>>, %arg3: memref<67584x128xf32, #tpu.memory_space<hbm>>, %arg4: memref<65536x128xf32, #tpu.memory_space<hbm>>, %arg5: memref<128xi32, #tpu.memory_space<vmem>>, %arg6: memref<128x128xf32, #tpu.memory_space<vmem>>, %arg7: memref<!tpu.dma_semaphore, #tpu.memory_space<semaphore_mem>>) attributes {dimension_semantics = [#tpu.dimension_semantics<core_parallel>, #tpu.dimension_semantics<subcore_parallel>], iteration_bounds = array<i64: 2, 16>, scalar_prefetch = 0 : i64, scratch_operands = 3 : i64, tpu.core_type = #tpu.core_type<sc_vector_subcore>, window_params = [{transform_indices = #map}, {transform_indices = #map1}, {transform_indices = #map1}]} {
    %mul3A = arith.constant 2 : i32
    %mul3A_0 = arith.muli %arg1, %mul3A : i32
    %add3A = arith.addi %mul3A_0, %arg0 : i32
    %mul3A_1 = arith.constant 2048 : i32
    %mul3A_2 = arith.muli %add3A, %mul3A_1 : i32
    %scan3A = arith.constant 0 : i32
    %scan3A_3 = arith.constant 0 : i32
    %scan3A_4 = arith.constant 16 : i32
    %scan3A_5 = arith.addi %scan3A_3, %scan3A_4 : i32
    %scan3A_6 = arith.constant 1 : i32
    scf.for %scan3A_8 = %scan3A_3 to %scan3A_5 step %scan3A_6  : i32 {
      %mul3A_9 = arith.constant 128 : i32
      %mul3A_10 = arith.muli %scan3A_8, %mul3A_9 : i32
      %add3A_11 = arith.addi %mul3A_2, %mul3A_10 : i32
      "tpu.region"() ({
        %run_scoped3A = tpu.sem_alloc : memref<!tpu.dma_semaphore, #tpu.memory_space<semaphore_mem>>
        %dma_start3A_16 = tpu.memref_slice %arg2[%add3A_11] : memref<65536xi32, #tpu.memory_space<hbm>> -> memref<128xi32, #tpu.memory_space<hbm>>
        %dma_start3A_17 = tpu.memref_slice %arg2[%add3A_11] : memref<65536xi32, #tpu.memory_space<hbm>> -> memref<128xi32, #tpu.memory_space<hbm>>
        tpu.enqueue_dma source(%dma_start3A_17 : memref<128xi32, #tpu.memory_space<hbm>>) target(%arg5 : memref<128xi32, #tpu.memory_space<vmem>>) target_semaphore(%run_scoped3A : memref<!tpu.dma_semaphore, #tpu.memory_space<semaphore_mem>>)
        %dma_wait3A_18 = tpu.memref_slice %arg2[%add3A_11] : memref<65536xi32, #tpu.memory_space<hbm>> -> memref<128xi32, #tpu.memory_space<hbm>>
        %dma_wait3A_19 = tpu.memref_slice %arg2[%add3A_11] : memref<65536xi32, #tpu.memory_space<hbm>> -> memref<128xi32, #tpu.memory_space<hbm>>
        tpu.wait_dma2 semaphore(%run_scoped3A : memref<!tpu.dma_semaphore, #tpu.memory_space<semaphore_mem>>) src(%dma_wait3A_19 : memref<128xi32, #tpu.memory_space<hbm>>) dst(%arg5 : memref<128xi32, #tpu.memory_space<vmem>>)
        tpu.yield
      }) : () -> ()
      %dma_start3A = arith.constant 0 : i32
      %dma_start3A_12 = arith.constant 0 : i32
      %dma_start3A_13 = tpu.memref_slice %arg3[%dma_start3A, %dma_start3A_12] : memref<67584x128xf32, #tpu.memory_space<hbm>> -> memref<67584x128xf32, #tpu.memory_space<hbm>>
      tpu.enqueue_indirect_dma source(%dma_start3A_13 : memref<67584x128xf32, #tpu.memory_space<hbm>>) target(%arg6 : memref<128x128xf32, #tpu.memory_space<vmem>>) offsets(%arg5 : memref<128xi32, #tpu.memory_space<vmem>>) semaphore(%arg7 : memref<!tpu.dma_semaphore, #tpu.memory_space<semaphore_mem>>)
      %dma_wait3A = arith.constant 0 : i32
      %dma_wait3A_14 = arith.constant 0 : i32
      %dma_wait3A_15 = tpu.memref_slice %arg3[%dma_wait3A, %dma_wait3A_14] : memref<67584x128xf32, #tpu.memory_space<hbm>> -> memref<67584x128xf32, #tpu.memory_space<hbm>>
      tpu.wait_indirect_dma semaphore(%arg7 : memref<!tpu.dma_semaphore, #tpu.memory_space<semaphore_mem>>) src(%dma_wait3A_15 : memref<67584x128xf32, #tpu.memory_space<hbm>>) dst(%arg6 : memref<128x128xf32, #tpu.memory_space<vmem>>)
      "tpu.region"() ({
        %run_scoped3A = tpu.sem_alloc : memref<!tpu.dma_semaphore, #tpu.memory_space<semaphore_mem>>
        %dma_start3A_16 = arith.constant 0 : i32
        %dma_start3A_17 = tpu.memref_slice %arg4[%add3A_11, %dma_start3A_16] : memref<65536x128xf32, #tpu.memory_space<hbm>> -> memref<128x128xf32, #tpu.memory_space<hbm>>
        %dma_start3A_18 = arith.constant 0 : i32
        %dma_start3A_19 = tpu.memref_slice %arg4[%add3A_11, %dma_start3A_18] : memref<65536x128xf32, #tpu.memory_space<hbm>> -> memref<128x128xf32, #tpu.memory_space<hbm>>
        tpu.enqueue_dma source(%arg6 : memref<128x128xf32, #tpu.memory_space<vmem>>) target(%dma_start3A_19 : memref<128x128xf32, #tpu.memory_space<hbm>>) target_semaphore(%run_scoped3A : memref<!tpu.dma_semaphore, #tpu.memory_space<semaphore_mem>>)
        %dma_wait3A_20 = arith.constant 0 : i32
        %dma_wait3A_21 = tpu.memref_slice %arg4[%add3A_11, %dma_wait3A_20] : memref<65536x128xf32, #tpu.memory_space<hbm>> -> memref<128x128xf32, #tpu.memory_space<hbm>>
        %dma_wait3A_22 = arith.constant 0 : i32
        %dma_wait3A_23 = tpu.memref_slice %arg4[%add3A_11, %dma_wait3A_22] : memref<65536x128xf32, #tpu.memory_space<hbm>> -> memref<128x128xf32, #tpu.memory_space<hbm>>
        tpu.wait_dma2 semaphore(%run_scoped3A : memref<!tpu.dma_semaphore, #tpu.memory_space<semaphore_mem>>) src(%arg6 : memref<128x128xf32, #tpu.memory_space<vmem>>) dst(%dma_wait3A_23 : memref<128x128xf32, #tpu.memory_space<hbm>>)
        tpu.yield
      }) : () -> ()
    }
    %scan3A_7 = arith.constant 16 : i32
    return
  }
}

#map = affine_map<(d0, d1) -> (0)>
#map1 = affine_map<(d0, d1) -> (0, 0)>
module attributes {stable_mosaic.version = 14 : i64} {
  func.func @_dispatch_body(%arg0: i32, %arg1: i32, %arg2: memref<65536xi32, #tpu.memory_space<hbm>>, %arg3: memref<65536x128xf32, #tpu.memory_space<hbm>>, %arg4: memref<67584x128xf32, #tpu.memory_space<hbm>>, %arg5: memref<128xi32, #tpu.memory_space<vmem>>, %arg6: memref<128x128xf32, #tpu.memory_space<vmem>>, %arg7: memref<!tpu.dma_semaphore, #tpu.memory_space<semaphore_mem>>) attributes {dimension_semantics = [#tpu.dimension_semantics<core_parallel>, #tpu.dimension_semantics<subcore_parallel>], iteration_bounds = array<i64: 2, 16>, scalar_prefetch = 0 : i64, scratch_operands = 3 : i64, tpu.core_type = #tpu.core_type<sc_vector_subcore>, window_params = [{transform_indices = #map}, {transform_indices = #map1}, {transform_indices = #map1}]} {
    %mul3A = arith.constant 2 : i32
    %mul3A_0 = arith.muli %arg1, %mul3A : i32
    %add3A = arith.addi %mul3A_0, %arg0 : i32
    %mul3A_1 = arith.constant 2048 : i32
    %mul3A_2 = arith.muli %add3A, %mul3A_1 : i32
    %scan3A = arith.constant 0 : i32
    %scan3A_3 = arith.constant 0 : i32
    %scan3A_4 = arith.constant 16 : i32
    %scan3A_5 = arith.addi %scan3A_3, %scan3A_4 : i32
    %scan3A_6 = arith.constant 1 : i32
    scf.for %scan3A_8 = %scan3A_3 to %scan3A_5 step %scan3A_6  : i32 {
      %mul3A_9 = arith.constant 128 : i32
      %mul3A_10 = arith.muli %scan3A_8, %mul3A_9 : i32
      %add3A_11 = arith.addi %mul3A_2, %mul3A_10 : i32
      "tpu.region"() ({
        %run_scoped3A = tpu.sem_alloc : memref<!tpu.dma_semaphore, #tpu.memory_space<semaphore_mem>>
        %dma_start3A_16 = tpu.memref_slice %arg2[%add3A_11] : memref<65536xi32, #tpu.memory_space<hbm>> -> memref<128xi32, #tpu.memory_space<hbm>>
        %dma_start3A_17 = tpu.memref_slice %arg2[%add3A_11] : memref<65536xi32, #tpu.memory_space<hbm>> -> memref<128xi32, #tpu.memory_space<hbm>>
        tpu.enqueue_dma source(%dma_start3A_17 : memref<128xi32, #tpu.memory_space<hbm>>) target(%arg5 : memref<128xi32, #tpu.memory_space<vmem>>) target_semaphore(%run_scoped3A : memref<!tpu.dma_semaphore, #tpu.memory_space<semaphore_mem>>)
        %dma_wait3A_18 = tpu.memref_slice %arg2[%add3A_11] : memref<65536xi32, #tpu.memory_space<hbm>> -> memref<128xi32, #tpu.memory_space<hbm>>
        %dma_wait3A_19 = tpu.memref_slice %arg2[%add3A_11] : memref<65536xi32, #tpu.memory_space<hbm>> -> memref<128xi32, #tpu.memory_space<hbm>>
        tpu.wait_dma2 semaphore(%run_scoped3A : memref<!tpu.dma_semaphore, #tpu.memory_space<semaphore_mem>>) src(%dma_wait3A_19 : memref<128xi32, #tpu.memory_space<hbm>>) dst(%arg5 : memref<128xi32, #tpu.memory_space<vmem>>)
        tpu.yield
      }) : () -> ()
      "tpu.region"() ({
        %run_scoped3A = tpu.sem_alloc : memref<!tpu.dma_semaphore, #tpu.memory_space<semaphore_mem>>
        %dma_start3A_16 = arith.constant 0 : i32
        %dma_start3A_17 = tpu.memref_slice %arg3[%add3A_11, %dma_start3A_16] : memref<65536x128xf32, #tpu.memory_space<hbm>> -> memref<128x128xf32, #tpu.memory_space<hbm>>
        %dma_start3A_18 = arith.constant 0 : i32
        %dma_start3A_19 = tpu.memref_slice %arg3[%add3A_11, %dma_start3A_18] : memref<65536x128xf32, #tpu.memory_space<hbm>> -> memref<128x128xf32, #tpu.memory_space<hbm>>
        tpu.enqueue_dma source(%dma_start3A_19 : memref<128x128xf32, #tpu.memory_space<hbm>>) target(%arg6 : memref<128x128xf32, #tpu.memory_space<vmem>>) target_semaphore(%run_scoped3A : memref<!tpu.dma_semaphore, #tpu.memory_space<semaphore_mem>>)
        %dma_wait3A_20 = arith.constant 0 : i32
        %dma_wait3A_21 = tpu.memref_slice %arg3[%add3A_11, %dma_wait3A_20] : memref<65536x128xf32, #tpu.memory_space<hbm>> -> memref<128x128xf32, #tpu.memory_space<hbm>>
        %dma_wait3A_22 = arith.constant 0 : i32
        %dma_wait3A_23 = tpu.memref_slice %arg3[%add3A_11, %dma_wait3A_22] : memref<65536x128xf32, #tpu.memory_space<hbm>> -> memref<128x128xf32, #tpu.memory_space<hbm>>
        tpu.wait_dma2 semaphore(%run_scoped3A : memref<!tpu.dma_semaphore, #tpu.memory_space<semaphore_mem>>) src(%dma_wait3A_23 : memref<128x128xf32, #tpu.memory_space<hbm>>) dst(%arg6 : memref<128x128xf32, #tpu.memory_space<vmem>>)
        tpu.yield
      }) : () -> ()
      %dma_start3A = arith.constant 0 : i32
      %dma_start3A_12 = arith.constant 0 : i32
      %dma_start3A_13 = tpu.memref_slice %arg4[%dma_start3A, %dma_start3A_12] : memref<67584x128xf32, #tpu.memory_space<hbm>> -> memref<67584x128xf32, #tpu.memory_space<hbm>>
      tpu.enqueue_indirect_dma source(%arg6 : memref<128x128xf32, #tpu.memory_space<vmem>>) target(%dma_start3A_13 : memref<67584x128xf32, #tpu.memory_space<hbm>>) offsets(%arg5 : memref<128xi32, #tpu.memory_space<vmem>>) semaphore(%arg7 : memref<!tpu.dma_semaphore, #tpu.memory_space<semaphore_mem>>)
      %dma_wait3A = arith.constant 0 : i32
      %dma_wait3A_14 = arith.constant 0 : i32
      %dma_wait3A_15 = tpu.memref_slice %arg4[%dma_wait3A, %dma_wait3A_14] : memref<67584x128xf32, #tpu.memory_space<hbm>> -> memref<67584x128xf32, #tpu.memory_space<hbm>>
      tpu.wait_indirect_dma semaphore(%arg7 : memref<!tpu.dma_semaphore, #tpu.memory_space<semaphore_mem>>) src(%arg6 : memref<128x128xf32, #tpu.memory_space<vmem>>) dst(%dma_wait3A_15 : memref<67584x128xf32, #tpu.memory_space<hbm>>)
    }
    %scan3A_7 = arith.constant 16 : i32
    return
  }
}

module attributes {stable_mosaic.version = 14 : i64} {
  func.func @_route_body(%arg0: i32, %arg1: memref<256x3xf32, #tpu.memory_space<vmem>>, %arg2: memref<256x3xf32, #tpu.memory_space<vmem>>, %arg3: memref<256x32xf32, #tpu.memory_space<vmem>>, %arg4: memref<3x8xf32, #tpu.memory_space<vmem>>, %arg5: memref<3x64xf32, #tpu.memory_space<vmem>>, %arg6: memref<1x64xf32, #tpu.memory_space<vmem>>, %arg7: memref<3x64xf32, #tpu.memory_space<vmem>>, %arg8: memref<1x64xf32, #tpu.memory_space<vmem>>, %arg9: memref<256x256xf32, #tpu.memory_space<vmem>>, %arg10: memref<16x16xf32, #tpu.memory_space<vmem>>, %arg11: memref<256x128xf32, #tpu.memory_space<vmem>>, %arg12: memref<256x1xi32, #tpu.memory_space<vmem>>, %arg13: memref<256x1xi32, #tpu.memory_space<vmem>>, %arg14: memref<1x16xi32, #tpu.memory_space<vmem>>, %arg15: memref<1x272xi32, #tpu.memory_space<vmem>>, %arg16: memref<1x16xf32, #tpu.memory_space<vmem>>) attributes {dimension_semantics = [#tpu.dimension_semantics<arbitrary>], iteration_bounds = array<i64: 256>, scalar_prefetch = 0 : i64, scratch_operands = 1 : i64, tpu.core_type = #tpu.core_type<tc>, window_params = [{transform_indices = @transform_0, window_bounds = array<i64: 256, 3>}, {transform_indices = @transform_1, window_bounds = array<i64: 256, 3>}, {transform_indices = @transform_2, window_bounds = array<i64: 256, 32>}, {pipeline_mode = #tpu.pipeline_mode<synchronous>, transform_indices = @transform_3, window_bounds = array<i64: 3, 8>}, {pipeline_mode = #tpu.pipeline_mode<synchronous>, transform_indices = @transform_4, window_bounds = array<i64: 3, 64>}, {pipeline_mode = #tpu.pipeline_mode<synchronous>, transform_indices = @transform_5, window_bounds = array<i64: 1, 64>}, {pipeline_mode = #tpu.pipeline_mode<synchronous>, transform_indices = @transform_6, window_bounds = array<i64: 3, 64>}, {pipeline_mode = #tpu.pipeline_mode<synchronous>, transform_indices = @transform_7, window_bounds = array<i64: 1, 64>}, {pipeline_mode = #tpu.pipeline_mode<synchronous>, transform_indices = @transform_8, window_bounds = array<i64: 256, 256>}, {pipeline_mode = #tpu.pipeline_mode<synchronous>, transform_indices = @transform_9, window_bounds = array<i64: 16, 16>}, {transform_indices = @transform_10, window_bounds = array<i64: 256, 128>}, {transform_indices = @transform_11, window_bounds = array<i64: 256, 1>}, {transform_indices = @transform_12, window_bounds = array<i64: 256, 1>}, {pipeline_mode = #tpu.pipeline_mode<synchronous>, transform_indices = @transform_13, window_bounds = array<i64: 1, 16>}, {pipeline_mode = #tpu.pipeline_mode<synchronous>, transform_indices = @transform_14, window_bounds = array<i64: 1, 272>}]} {
    %get3A = arith.constant 0 : index
    %get3A_0 = arith.constant 0 : index
    %get3A_1 = vector.load %arg1[%get3A, %get3A_0] : memref<256x3xf32, #tpu.memory_space<vmem>>, vector<256x3xf32>
    %get3A_2 = arith.constant 0 : index
    %get3A_3 = arith.constant 0 : index
    %get3A_4 = vector.load %arg2[%get3A_2, %get3A_3] : memref<256x3xf32, #tpu.memory_space<vmem>>, vector<256x3xf32>
    %broadcast_in_dim3A = arith.constant 0.000000e+00 : f32
    %broadcast_in_dim3A_5 = vector.broadcast %broadcast_in_dim3A : f32 to vector<256x8xf32>
    %slice3A = vector.extract_strided_slice %get3A_1 {offsets = [0, 0], sizes = [256, 1], strides = [1, 1]} : vector<256x3xf32> to vector<256x1xf32>
    %get3A_6 = arith.constant 0 : index
    %get3A_7 = arith.constant 0 : index
    %get3A_8 = vector.load %arg4[%get3A_6, %get3A_7] : memref<3x8xf32, #tpu.memory_space<vmem>>, vector<1x8xf32>
    %sub3A = vector.broadcast %slice3A : vector<256x1xf32> to vector<256x8xf32>
    %sub3A_9 = vector.broadcast %get3A_8 : vector<1x8xf32> to vector<256x8xf32>
    %sub3A_10 = arith.subf %sub3A, %sub3A_9 : vector<256x8xf32>
    %mul3A = arith.mulf %sub3A_10, %sub3A_10 : vector<256x8xf32>
    %add3A = arith.addf %broadcast_in_dim3A_5, %mul3A : vector<256x8xf32>
    %slice3A_11 = vector.extract_strided_slice %get3A_1 {offsets = [0, 1], sizes = [256, 1], strides = [1, 1]} : vector<256x3xf32> to vector<256x1xf32>
    %get3A_12 = arith.constant 1 : index
    %get3A_13 = arith.constant 0 : index
    %get3A_14 = vector.load %arg4[%get3A_12, %get3A_13] : memref<3x8xf32, #tpu.memory_space<vmem>>, vector<1x8xf32>
    %sub3A_15 = vector.broadcast %slice3A_11 : vector<256x1xf32> to vector<256x8xf32>
    %sub3A_16 = vector.broadcast %get3A_14 : vector<1x8xf32> to vector<256x8xf32>
    %sub3A_17 = arith.subf %sub3A_15, %sub3A_16 : vector<256x8xf32>
    %mul3A_18 = arith.mulf %sub3A_17, %sub3A_17 : vector<256x8xf32>
    %add3A_19 = arith.addf %add3A, %mul3A_18 : vector<256x8xf32>
    %slice3A_20 = vector.extract_strided_slice %get3A_1 {offsets = [0, 2], sizes = [256, 1], strides = [1, 1]} : vector<256x3xf32> to vector<256x1xf32>
    %get3A_21 = arith.constant 2 : index
    %get3A_22 = arith.constant 0 : index
    %get3A_23 = vector.load %arg4[%get3A_21, %get3A_22] : memref<3x8xf32, #tpu.memory_space<vmem>>, vector<1x8xf32>
    %sub3A_24 = vector.broadcast %slice3A_20 : vector<256x1xf32> to vector<256x8xf32>
    %sub3A_25 = vector.broadcast %get3A_23 : vector<1x8xf32> to vector<256x8xf32>
    %sub3A_26 = arith.subf %sub3A_24, %sub3A_25 : vector<256x8xf32>
    %mul3A_27 = arith.mulf %sub3A_26, %sub3A_26 : vector<256x8xf32>
    %add3A_28 = arith.addf %add3A_19, %mul3A_27 : vector<256x8xf32>
    %reduce_min3A = arith.constant dense<0x7F800000> : vector<256xf32>
    %reduce_min3A_29 = vector.multi_reduction <minimumf>, %add3A_28, %reduce_min3A [1] : vector<256x8xf32> to vector<256xf32>
    %broadcast_in_dim3A_30 = vector.shape_cast %reduce_min3A_29 : vector<256xf32> to vector<256x1xf32>
    %iota3A = tpu.iota {dimensions = array<i32: 1>} : vector<256x8xi32>
    %le3A = vector.broadcast %broadcast_in_dim3A_30 : vector<256x1xf32> to vector<256x8xf32>
    %le3A_31 = arith.cmpf ole, %add3A_28, %le3A : vector<256x8xf32>
    %jit3A = arith.constant 8 : i32
    %broadcast_in_dim3A_32 = vector.broadcast %jit3A : i32 to vector<256x8xi32>
    %select_n3A = arith.select %le3A_31, %iota3A, %broadcast_in_dim3A_32 : vector<256x8xi1>, vector<256x8xi32>
    %reduce_min3A_33 = arith.constant dense<2147483647> : vector<256xi32>
    %reduce_min3A_34 = vector.multi_reduction <minsi>, %select_n3A, %reduce_min3A_33 [1] : vector<256x8xi32> to vector<256xi32>
    %broadcast_in_dim3A_35 = vector.shape_cast %reduce_min3A_34 : vector<256xi32> to vector<256x1xi32>
    %iota3A_36 = tpu.iota {dimensions = array<i32: 1>} : vector<256x16xi32>
    %eq3A = vector.broadcast %broadcast_in_dim3A_35 : vector<256x1xi32> to vector<256x16xi32>
    %eq3A_37 = arith.cmpi eq, %eq3A, %iota3A_36 : vector<256x16xi32>
    %convert_element_type3A = arith.extui %eq3A_37 : vector<256x16xi1> to vector<256x16xi32>
    %convert_element_type3A_38 = arith.sitofp %convert_element_type3A : vector<256x16xi32> to vector<256x16xf32>
    %eq3A_39 = arith.constant 0 : i32
    %eq3A_40 = arith.cmpi eq, %arg0, %eq3A_39 : i32
    %convert_element_type3A_41 = arith.extui %eq3A_40 : i1 to i32
    %cond3A = arith.constant 0 : i32
    %cond3A_42 = arith.cmpi ne, %convert_element_type3A_41, %cond3A : i32
    scf.if %cond3A_42 {
      %broadcast_in_dim3A_139 = arith.constant 0.000000e+00 : f32
      %broadcast_in_dim3A_140 = vector.broadcast %broadcast_in_dim3A_139 : f32 to vector<1x16xf32>
      %swap3A_141 = arith.constant 0 : index
      %swap3A_142 = arith.constant 0 : index
      %swap3A_143 = vector.load %arg16[%swap3A_141, %swap3A_142] : memref<1x16xf32, #tpu.memory_space<vmem>>, vector<1x16xf32>
      tpu.vector_store %arg16[%swap3A_141, %swap3A_142], %broadcast_in_dim3A_140 {strides = array<i32>} : memref<1x16xf32, #tpu.memory_space<vmem>>, vector<1x16xf32>,
    } else {
    }
    %get3A_43 = arith.constant 0 : index
    %get3A_44 = arith.constant 0 : index
    %get3A_45 = vector.load %arg16[%get3A_43, %get3A_44] : memref<1x16xf32, #tpu.memory_space<vmem>>, vector<1x16xf32>
    %get3A_46 = arith.constant 0 : index
    %get3A_47 = arith.constant 0 : index
    %get3A_48 = vector.load %arg9[%get3A_46, %get3A_47] : memref<256x256xf32, #tpu.memory_space<vmem>>, vector<256x256xf32>
    %dot_general3A = arith.constant dense<0.000000e+00> : vector<256x16xf32>
    %dot_general3A_49 = tpu.matmul %get3A_48, %convert_element_type3A_38, %dot_general3A {dimension_numbers = #tpu.dot_dimension_numbers<[1], [0], [0], [1], [0, 0, 1, 1], [], []>, transpose_lhs_hint = false} : vector<256x256xf32>, vector<256x16xf32>, vector<256x16xf32> -> vector<256x16xf32>
    %add3A_50 = vector.broadcast %get3A_45 : vector<1x16xf32> to vector<256x16xf32>
    %add3A_51 = arith.addf %dot_general3A_49, %add3A_50 : vector<256x16xf32>
    %mul3A_52 = arith.mulf %add3A_51, %convert_element_type3A_38 : vector<256x16xf32>
    %reduce_sum3A = arith.constant dense<0.000000e+00> : vector<256xf32>
    %reduce_sum3A_53 = vector.multi_reduction <add>, %mul3A_52, %reduce_sum3A [1] : vector<256x16xf32> to vector<256xf32>
    %broadcast_in_dim3A_54 = vector.shape_cast %reduce_sum3A_53 : vector<256xf32> to vector<256x1xf32>
    %swap3A = arith.constant 0 : index
    %swap3A_55 = arith.constant 0 : index
    %swap3A_56 = vector.load %arg12[%swap3A, %swap3A_55] : memref<256x1xi32, #tpu.memory_space<vmem>>, vector<256x1xi32>
    tpu.vector_store %arg12[%swap3A, %swap3A_55], %broadcast_in_dim3A_35 {strides = array<i32>} : memref<256x1xi32, #tpu.memory_space<vmem>>, vector<256x1xi32>,
    %convert_element_type3A_57 = arith.fptosi %broadcast_in_dim3A_54 : vector<256x1xf32> to vector<256x1xi32>
    %swap3A_58 = arith.constant 0 : index
    %swap3A_59 = arith.constant 0 : index
    %swap3A_60 = vector.load %arg13[%swap3A_58, %swap3A_59] : memref<256x1xi32, #tpu.memory_space<vmem>>, vector<256x1xi32>
    tpu.vector_store %arg13[%swap3A_58, %swap3A_59], %convert_element_type3A_57 {strides = array<i32>} : memref<256x1xi32, #tpu.memory_space<vmem>>, vector<256x1xi32>,
    %reduce_sum3A_61 = arith.constant dense<0.000000e+00> : vector<16xf32>
    %reduce_sum3A_62 = vector.multi_reduction <add>, %convert_element_type3A_38, %reduce_sum3A_61 [0] : vector<256x16xf32> to vector<16xf32>
    %broadcast_in_dim3A_63 = vector.shape_cast %reduce_sum3A_62 : vector<16xf32> to vector<1x16xf32>
    %add3A_64 = arith.addf %get3A_45, %broadcast_in_dim3A_63 : vector<1x16xf32>
    %swap3A_65 = arith.constant 0 : index
    %swap3A_66 = arith.constant 0 : index
    %swap3A_67 = vector.load %arg16[%swap3A_65, %swap3A_66] : memref<1x16xf32, #tpu.memory_space<vmem>>, vector<1x16xf32>
    tpu.vector_store %arg16[%swap3A_65, %swap3A_66], %add3A_64 {strides = array<i32>} : memref<1x16xf32, #tpu.memory_space<vmem>>, vector<1x16xf32>,
    %eq3A_68 = arith.constant 255 : i32
    %eq3A_69 = arith.cmpi eq, %arg0, %eq3A_68 : i32
    %convert_element_type3A_70 = arith.extui %eq3A_69 : i1 to i32
    %cond3A_71 = arith.constant 0 : i32
    %cond3A_72 = arith.cmpi ne, %convert_element_type3A_70, %cond3A_71 : i32
    scf.if %cond3A_72 {
      %add3A_139 = arith.constant 2.550000e+02 : f32
      %add3A_140 = vector.broadcast %add3A_139 : f32 to vector<1x16xf32>
      %add3A_141 = arith.addf %add3A_64, %add3A_140 : vector<1x16xf32>
      %mul3A_142 = arith.constant 3.906250e-03 : f32
      %mul3A_143 = vector.broadcast %mul3A_142 : f32 to vector<1x16xf32>
      %mul3A_144 = arith.mulf %add3A_141, %mul3A_143 : vector<1x16xf32>
      %floor3A = math.floor %mul3A_144 : vector<1x16xf32>
      %mul3A_145 = arith.constant 2.560000e+02 : f32
      %mul3A_146 = vector.broadcast %mul3A_145 : f32 to vector<1x16xf32>
      %mul3A_147 = arith.mulf %floor3A, %mul3A_146 : vector<1x16xf32>
      %get3A_148 = arith.constant 0 : index
      %get3A_149 = arith.constant 0 : index
      %get3A_150 = vector.load %arg10[%get3A_148, %get3A_149] : memref<16x16xf32, #tpu.memory_space<vmem>>, vector<16x16xf32>
      %dot_general3A_151 = arith.constant dense<0.000000e+00> : vector<1x16xf32>
      %dot_general3A_152 = tpu.matmul %mul3A_147, %get3A_150, %dot_general3A_151 {dimension_numbers = #tpu.dot_dimension_numbers<[1], [0], [0], [1], [0, 0, 1, 1], [], []>, transpose_lhs_hint = false} : vector<1x16xf32>, vector<16x16xf32>, vector<1x16xf32> -> vector<1x16xf32>
      %sub3A_153 = arith.subf %dot_general3A_152, %mul3A_147 : vector<1x16xf32>
      %convert_element_type3A_154 = arith.fptosi %sub3A_153 : vector<1x16xf32> to vector<1x16xi32>
      %swap3A_155 = arith.constant 0 : index
      %swap3A_156 = arith.constant 0 : index
      %swap3A_157 = vector.load %arg14[%swap3A_155, %swap3A_156] : memref<1x16xi32, #tpu.memory_space<vmem>>, vector<1x16xi32>
      tpu.vector_store %arg14[%swap3A_155, %swap3A_156], %convert_element_type3A_154 {strides = array<i32>} : memref<1x16xi32, #tpu.memory_space<vmem>>, vector<1x16xi32>,
      %convert_element_type3A_158 = arith.fptosi %dot_general3A_152 : vector<1x16xf32> to vector<1x16xi32>
      %iota3A_159 = tpu.iota {dimensions = array<i32: 1>} : vector<1x272xi32>
      %mul3A_160 = arith.constant 256 : i32
      %mul3A_161 = vector.broadcast %mul3A_160 : i32 to vector<1x272xi32>
      %mul3A_162 = arith.muli %iota3A_159, %mul3A_161 : vector<1x272xi32>
      %broadcast_in_dim3A_163 = arith.constant 0 : i32
      %broadcast_in_dim3A_164 = vector.broadcast %broadcast_in_dim3A_163 : i32 to vector<1x272xi32>
      %slice3A_165 = vector.extract_strided_slice %convert_element_type3A_158 {offsets = [0, 0], sizes = [1, 1], strides = [1, 1]} : vector<1x16xi32> to vector<1x1xi32>
      %ge3A = vector.broadcast %slice3A_165 : vector<1x1xi32> to vector<1x272xi32>
      %ge3A_166 = arith.cmpi sge, %mul3A_162, %ge3A : vector<1x272xi32>
      %convert_element_type3A_167 = arith.extui %ge3A_166 : vector<1x272xi1> to vector<1x272xi32>
      %add3A_168 = arith.addi %broadcast_in_dim3A_164, %convert_element_type3A_167 : vector<1x272xi32>
      %slice3A_169 = vector.extract_strided_slice %convert_element_type3A_158 {offsets = [0, 1], sizes = [1, 1], strides = [1, 1]} : vector<1x16xi32> to vector<1x1xi32>
      %ge3A_170 = vector.broadcast %slice3A_169 : vector<1x1xi32> to vector<1x272xi32>
      %ge3A_171 = arith.cmpi sge, %mul3A_162, %ge3A_170 : vector<1x272xi32>
      %convert_element_type3A_172 = arith.extui %ge3A_171 : vector<1x272xi1> to vector<1x272xi32>
      %add3A_173 = arith.addi %add3A_168, %convert_element_type3A_172 : vector<1x272xi32>
      %slice3A_174 = vector.extract_strided_slice %convert_element_type3A_158 {offsets = [0, 2], sizes = [1, 1], strides = [1, 1]} : vector<1x16xi32> to vector<1x1xi32>
      %ge3A_175 = vector.broadcast %slice3A_174 : vector<1x1xi32> to vector<1x272xi32>
      %ge3A_176 = arith.cmpi sge, %mul3A_162, %ge3A_175 : vector<1x272xi32>
      %convert_element_type3A_177 = arith.extui %ge3A_176 : vector<1x272xi1> to vector<1x272xi32>
      %add3A_178 = arith.addi %add3A_173, %convert_element_type3A_177 : vector<1x272xi32>
      %slice3A_179 = vector.extract_strided_slice %convert_element_type3A_158 {offsets = [0, 3], sizes = [1, 1], strides = [1, 1]} : vector<1x16xi32> to vector<1x1xi32>
      %ge3A_180 = vector.broadcast %slice3A_179 : vector<1x1xi32> to vector<1x272xi32>
      %ge3A_181 = arith.cmpi sge, %mul3A_162, %ge3A_180 : vector<1x272xi32>
      %convert_element_type3A_182 = arith.extui %ge3A_181 : vector<1x272xi1> to vector<1x272xi32>
      %add3A_183 = arith.addi %add3A_178, %convert_element_type3A_182 : vector<1x272xi32>
      %slice3A_184 = vector.extract_strided_slice %convert_element_type3A_158 {offsets = [0, 4], sizes = [1, 1], strides = [1, 1]} : vector<1x16xi32> to vector<1x1xi32>
      %ge3A_185 = vector.broadcast %slice3A_184 : vector<1x1xi32> to vector<1x272xi32>
      %ge3A_186 = arith.cmpi sge, %mul3A_162, %ge3A_185 : vector<1x272xi32>
      %convert_element_type3A_187 = arith.extui %ge3A_186 : vector<1x272xi1> to vector<1x272xi32>
      %add3A_188 = arith.addi %add3A_183, %convert_element_type3A_187 : vector<1x272xi32>
      %slice3A_189 = vector.extract_strided_slice %convert_element_type3A_158 {offsets = [0, 5], sizes = [1, 1], strides = [1, 1]} : vector<1x16xi32> to vector<1x1xi32>
      %ge3A_190 = vector.broadcast %slice3A_189 : vector<1x1xi32> to vector<1x272xi32>
      %ge3A_191 = arith.cmpi sge, %mul3A_162, %ge3A_190 : vector<1x272xi32>
      %convert_element_type3A_192 = arith.extui %ge3A_191 : vector<1x272xi1> to vector<1x272xi32>
      %add3A_193 = arith.addi %add3A_188, %convert_element_type3A_192 : vector<1x272xi32>
      %slice3A_194 = vector.extract_strided_slice %convert_element_type3A_158 {offsets = [0, 6], sizes = [1, 1], strides = [1, 1]} : vector<1x16xi32> to vector<1x1xi32>
      %ge3A_195 = vector.broadcast %slice3A_194 : vector<1x1xi32> to vector<1x272xi32>
      %ge3A_196 = arith.cmpi sge, %mul3A_162, %ge3A_195 : vector<1x272xi32>
      %convert_element_type3A_197 = arith.extui %ge3A_196 : vector<1x272xi1> to vector<1x272xi32>
      %add3A_198 = arith.addi %add3A_193, %convert_element_type3A_197 : vector<1x272xi32>
      %swap3A_199 = arith.constant 0 : index
      %swap3A_200 = arith.constant 0 : index
      %swap3A_201 = vector.load %arg15[%swap3A_199, %swap3A_200] : memref<1x272xi32, #tpu.memory_space<vmem>>, vector<1x272xi32>
      tpu.vector_store %arg15[%swap3A_199, %swap3A_200], %add3A_198 {strides = array<i32>} : memref<1x272xi32, #tpu.memory_space<vmem>>, vector<1x272xi32>,
    } else {
    }
    %iota3A_73 = tpu.iota {dimensions = array<i32: 1>} : vector<256x64xi32>
    %sub3A_74 = arith.constant 3 : i32
    %sub3A_75 = vector.broadcast %sub3A_74 : i32 to vector<256x64xi32>
    %sub3A_76 = arith.subi %iota3A_73, %sub3A_75 : vector<256x64xi32>
    %jit3A_77 = arith.constant 6 : i32
    %eq3A_78 = arith.constant 0 : i32
    %eq3A_79 = arith.cmpi eq, %jit3A_77, %eq3A_78 : i32
    %jit3A_80 = arith.constant 1 : i32
    %select_n3A_81 = arith.select %eq3A_79, %jit3A_80, %jit3A_77 : i32
    %rem3A = vector.broadcast %select_n3A_81 : i32 to vector<256x64xi32>
    %rem3A_82 = arith.remsi %sub3A_76, %rem3A : vector<256x64xi32>
    %ne3A = arith.constant 0 : i32
    %ne3A_83 = vector.broadcast %ne3A : i32 to vector<256x64xi32>
    %ne3A_84 = arith.cmpi ne, %rem3A_82, %ne3A_83 : vector<256x64xi32>
    %lt3A = arith.constant 0 : i32
    %lt3A_85 = vector.broadcast %lt3A : i32 to vector<256x64xi32>
    %lt3A_86 = arith.cmpi slt, %rem3A_82, %lt3A_85 : vector<256x64xi32>
    %lt3A_87 = arith.constant 0 : i32
    %lt3A_88 = arith.cmpi slt, %select_n3A_81, %lt3A_87 : i32
    %ne3A_89 = vector.broadcast %lt3A_88 : i1 to vector<256x64xi1>
    %ne3A_90 = vector.broadcast %ne3A_89 : vector<256x64xi1> to vector<256x64xi1>
    %ne3A_91 = arith.xori %lt3A_86, %ne3A_90 : vector<256x64xi1>
    %and3A = arith.andi %ne3A_91, %ne3A_84 : vector<256x64xi1>
    %add3A_92 = vector.broadcast %select_n3A_81 : i32 to vector<256x64xi32>
    %add3A_93 = arith.addi %rem3A_82, %add3A_92 : vector<256x64xi32>
    %select_n3A_94 = arith.select %and3A, %add3A_93, %rem3A_82 : vector<256x64xi1>, vector<256x64xi32>
    %lt3A_95 = arith.constant 3 : i32
    %lt3A_96 = vector.broadcast %lt3A_95 : i32 to vector<256x64xi32>
    %lt3A_97 = arith.cmpi slt, %select_n3A_94, %lt3A_96 : vector<256x64xi32>
    %get3A_98 = arith.constant 0 : index
    %get3A_99 = arith.constant 0 : index
    %get3A_100 = vector.load %arg5[%get3A_98, %get3A_99] : memref<3x64xf32, #tpu.memory_space<vmem>>, vector<3x64xf32>
    %dot_general3A_101 = arith.constant dense<0.000000e+00> : vector<256x64xf32>
    %dot_general3A_102 = tpu.matmul %get3A_1, %get3A_100, %dot_general3A_101 {dimension_numbers = #tpu.dot_dimension_numbers<[1], [0], [0], [1], [0, 0, 1, 1], [], []>, precision = #tpu.contract_precision<fp32>, transpose_lhs_hint = false} : vector<256x3xf32>, vector<3x64xf32>, vector<256x64xf32> -> vector<256x64xf32>
    %lt3A_103 = arith.constant 3 : i32
    %lt3A_104 = vector.broadcast %lt3A_103 : i32 to vector<256x64xi32>
    %lt3A_105 = arith.cmpi slt, %iota3A_73, %lt3A_104 : vector<256x64xi32>
    %sin3A = math.sin %dot_general3A_102 : vector<256x64xf32>
    %cos3A = math.cos %dot_general3A_102 : vector<256x64xf32>
    %select_n3A_106 = arith.select %lt3A_97, %sin3A, %cos3A : vector<256x64xi1>, vector<256x64xf32>
    %select_n3A_107 = arith.select %lt3A_105, %dot_general3A_102, %select_n3A_106 : vector<256x64xi1>, vector<256x64xf32>
    %eq3A_108 = arith.constant 63 : i32
    %eq3A_109 = vector.broadcast %eq3A_108 : i32 to vector<256x64xi32>
    %eq3A_110 = arith.cmpi eq, %iota3A_73, %eq3A_109 : vector<256x64xi32>
    %jit3A_111 = arith.constant 1.000000e+00 : f32
    %broadcast_in_dim3A_112 = vector.broadcast %jit3A_111 : f32 to vector<256x64xf32>
    %select_n3A_113 = arith.select %eq3A_110, %broadcast_in_dim3A_112, %select_n3A_107 : vector<256x64xi1>, vector<256x64xf32>
    %get3A_114 = arith.constant 0 : index
    %get3A_115 = arith.constant 0 : index
    %get3A_116 = vector.load %arg7[%get3A_114, %get3A_115] : memref<3x64xf32, #tpu.memory_space<vmem>>, vector<3x64xf32>
    %dot_general3A_117 = arith.constant dense<0.000000e+00> : vector<256x64xf32>
    %dot_general3A_118 = tpu.matmul %get3A_4, %get3A_116, %dot_general3A_117 {dimension_numbers = #tpu.dot_dimension_numbers<[1], [0], [0], [1], [0, 0, 1, 1], [], []>, precision = #tpu.contract_precision<fp32>, transpose_lhs_hint = false} : vector<256x3xf32>, vector<3x64xf32>, vector<256x64xf32> -> vector<256x64xf32>
    %lt3A_119 = arith.constant 3 : i32
    %lt3A_120 = vector.broadcast %lt3A_119 : i32 to vector<256x64xi32>
    %lt3A_121 = arith.cmpi slt, %iota3A_73, %lt3A_120 : vector<256x64xi32>
    %sin3A_122 = math.sin %dot_general3A_118 : vector<256x64xf32>
    %cos3A_123 = math.cos %dot_general3A_118 : vector<256x64xf32>
    %select_n3A_124 = arith.select %lt3A_97, %sin3A_122, %cos3A_123 : vector<256x64xi1>, vector<256x64xf32>
    %select_n3A_125 = arith.select %lt3A_121, %dot_general3A_118, %select_n3A_124 : vector<256x64xi1>, vector<256x64xf32>
    %eq3A_126 = arith.constant 31 : i32
    %eq3A_127 = vector.broadcast %eq3A_126 : i32 to vector<256x64xi32>
    %eq3A_128 = arith.cmpi eq, %iota3A_73, %eq3A_127 : vector<256x64xi32>
    %jit3A_129 = arith.constant 1.000000e+00 : f32
    %broadcast_in_dim3A_130 = vector.broadcast %jit3A_129 : f32 to vector<256x64xf32>
    %select_n3A_131 = arith.select %eq3A_128, %broadcast_in_dim3A_130, %select_n3A_125 : vector<256x64xi1>, vector<256x64xf32>
    %slice3A_132 = vector.extract_strided_slice %select_n3A_131 {offsets = [0, 0], sizes = [256, 32], strides = [1, 1]} : vector<256x64xf32> to vector<256x32xf32>
    %get3A_133 = arith.constant 0 : index
    %get3A_134 = arith.constant 0 : index
    %get3A_135 = vector.load %arg3[%get3A_133, %get3A_134] : memref<256x32xf32, #tpu.memory_space<vmem>>, vector<256x32xf32>
    %concatenate3A = tpu.concatenate %select_n3A_113, %slice3A_132, %get3A_135 in 1 : vector<256x64xf32>, vector<256x32xf32>, vector<256x32xf32> -> vector<256x128xf32>
    %swap3A_136 = arith.constant 0 : index
    %swap3A_137 = arith.constant 0 : index
    %swap3A_138 = vector.load %arg11[%swap3A_136, %swap3A_137] : memref<256x128xf32, #tpu.memory_space<vmem>>, vector<256x128xf32>
    tpu.vector_store %arg11[%swap3A_136, %swap3A_137], %concatenate3A {strides = array<i32>} : memref<256x128xf32, #tpu.memory_space<vmem>>, vector<256x128xf32>,
    return
  }
  func.func @transform_0(%arg0: i32) -> (i32, i32) {
    %c0_i32 = arith.constant 0 : i32
    %c0_i32_0 = arith.constant 0 : i32
    return %arg0, %c0_i32 : i32, i32
  }
  func.func @transform_1(%arg0: i32) -> (i32, i32) {
    %c0_i32 = arith.constant 0 : i32
    %c0_i32_0 = arith.constant 0 : i32
    return %arg0, %c0_i32 : i32, i32
  }
  func.func @transform_2(%arg0: i32) -> (i32, i32) {
    %c0_i32 = arith.constant 0 : i32
    %c0_i32_0 = arith.constant 0 : i32
    return %arg0, %c0_i32 : i32, i32
  }
  func.func @transform_3(%arg0: i32) -> (i32, i32) {
    %c0_i32 = arith.constant 0 : i32
    %c0_i32_0 = arith.constant 0 : i32
    %c0_i32_1 = arith.constant 0 : i32
    return %c0_i32, %c0_i32_0 : i32, i32
  }
  func.func @transform_4(%arg0: i32) -> (i32, i32) {
    %c0_i32 = arith.constant 0 : i32
    %c0_i32_0 = arith.constant 0 : i32
    %c0_i32_1 = arith.constant 0 : i32
    return %c0_i32, %c0_i32_0 : i32, i32
  }
  func.func @transform_5(%arg0: i32) -> (i32, i32) {
    %c0_i32 = arith.constant 0 : i32
    %c0_i32_0 = arith.constant 0 : i32
    %c0_i32_1 = arith.constant 0 : i32
    return %c0_i32, %c0_i32_0 : i32, i32
  }
  func.func @transform_6(%arg0: i32) -> (i32, i32) {
    %c0_i32 = arith.constant 0 : i32
    %c0_i32_0 = arith.constant 0 : i32
    %c0_i32_1 = arith.constant 0 : i32
    return %c0_i32, %c0_i32_0 : i32, i32
  }
  func.func @transform_7(%arg0: i32) -> (i32, i32) {
    %c0_i32 = arith.constant 0 : i32
    %c0_i32_0 = arith.constant 0 : i32
    %c0_i32_1 = arith.constant 0 : i32
    return %c0_i32, %c0_i32_0 : i32, i32
  }
  func.func @transform_8(%arg0: i32) -> (i32, i32) {
    %c0_i32 = arith.constant 0 : i32
    %c0_i32_0 = arith.constant 0 : i32
    %c0_i32_1 = arith.constant 0 : i32
    return %c0_i32, %c0_i32_0 : i32, i32
  }
  func.func @transform_9(%arg0: i32) -> (i32, i32) {
    %c0_i32 = arith.constant 0 : i32
    %c0_i32_0 = arith.constant 0 : i32
    %c0_i32_1 = arith.constant 0 : i32
    return %c0_i32, %c0_i32_0 : i32, i32
  }
  func.func @transform_10(%arg0: i32) -> (i32, i32) {
    %c0_i32 = arith.constant 0 : i32
    %c0_i32_0 = arith.constant 0 : i32
    return %arg0, %c0_i32 : i32, i32
  }
  func.func @transform_11(%arg0: i32) -> (i32, i32) {
    %c0_i32 = arith.constant 0 : i32
    %c0_i32_0 = arith.constant 0 : i32
    return %arg0, %c0_i32 : i32, i32
  }
  func.func @transform_12(%arg0: i32) -> (i32, i32) {
    %c0_i32 = arith.constant 0 : i32
    %c0_i32_0 = arith.constant 0 : i32
    return %arg0, %c0_i32 : i32, i32
  }
  func.func @transform_13(%arg0: i32) -> (i32, i32) {
    %c0_i32 = arith.constant 0 : i32
    %c0_i32_0 = arith.constant 0 : i32
    %c0_i32_1 = arith.constant 0 : i32
    return %c0_i32, %c0_i32_0 : i32, i32
  }
  func.func @transform_14(%arg0: i32) -> (i32, i32) {
    %c0_i32 = arith.constant 0 : i32
    %c0_i32_0 = arith.constant 0 : i32
    %c0_i32_1 = arith.constant 0 : i32
    return %c0_i32, %c0_i32_0 : i32, i32
  }
}

module attributes {stable_mosaic.version = 14 : i64} {
  func.func @_finalize_body(%arg0: i32, %arg1: memref<256x1xi32, #tpu.memory_space<vmem>>, %arg2: memref<256x1xi32, #tpu.memory_space<vmem>>, %arg3: memref<1x16xi32, #tpu.memory_space<vmem>>, %arg4: memref<256x1xi32, #tpu.memory_space<vmem>>) attributes {dimension_semantics = [#tpu.dimension_semantics<arbitrary>], iteration_bounds = array<i64: 256>, scalar_prefetch = 0 : i64, scratch_operands = 0 : i64, tpu.core_type = #tpu.core_type<tc>, window_params = [{transform_indices = @transform_0, window_bounds = array<i64: 256, 1>}, {transform_indices = @transform_1, window_bounds = array<i64: 256, 1>}, {pipeline_mode = #tpu.pipeline_mode<synchronous>, transform_indices = @transform_2, window_bounds = array<i64: 1, 16>}, {transform_indices = @transform_3, window_bounds = array<i64: 256, 1>}]} {
    %iota3A = tpu.iota {dimensions = array<i32: 1>} : vector<256x16xi32>
    %get3A = arith.constant 0 : index
    %get3A_0 = arith.constant 0 : index
    %get3A_1 = vector.load %arg1[%get3A, %get3A_0] : memref<256x1xi32, #tpu.memory_space<vmem>>, vector<256x1xi32>
    %eq3A = vector.broadcast %get3A_1 : vector<256x1xi32> to vector<256x16xi32>
    %eq3A_2 = arith.cmpi eq, %eq3A, %iota3A : vector<256x16xi32>
    %convert_element_type3A = arith.extui %eq3A_2 : vector<256x16xi1> to vector<256x16xi32>
    %get3A_3 = arith.constant 0 : index
    %get3A_4 = arith.constant 0 : index
    %get3A_5 = vector.load %arg2[%get3A_3, %get3A_4] : memref<256x1xi32, #tpu.memory_space<vmem>>, vector<256x1xi32>
    %get3A_6 = arith.constant 0 : index
    %get3A_7 = arith.constant 0 : index
    %get3A_8 = vector.load %arg3[%get3A_6, %get3A_7] : memref<1x16xi32, #tpu.memory_space<vmem>>, vector<1x16xi32>
    %mul3A = vector.broadcast %get3A_8 : vector<1x16xi32> to vector<256x16xi32>
    %mul3A_9 = arith.muli %convert_element_type3A, %mul3A : vector<256x16xi32>
    %reduce_sum3A = arith.constant dense<0> : vector<256xi32>
    %reduce_sum3A_10 = vector.multi_reduction <add>, %mul3A_9, %reduce_sum3A [1] : vector<256x16xi32> to vector<256xi32>
    %broadcast_in_dim3A = vector.shape_cast %reduce_sum3A_10 : vector<256xi32> to vector<256x1xi32>
    %add3A = arith.addi %get3A_5, %broadcast_in_dim3A : vector<256x1xi32>
    %swap3A = arith.constant 0 : index
    %swap3A_11 = arith.constant 0 : index
    %swap3A_12 = vector.load %arg4[%swap3A, %swap3A_11] : memref<256x1xi32, #tpu.memory_space<vmem>>, vector<256x1xi32>
    tpu.vector_store %arg4[%swap3A, %swap3A_11], %add3A {strides = array<i32>} : memref<256x1xi32, #tpu.memory_space<vmem>>, vector<256x1xi32>,
    return
  }
  func.func @transform_0(%arg0: i32) -> (i32, i32) {
    %c0_i32 = arith.constant 0 : i32
    %c0_i32_0 = arith.constant 0 : i32
    return %arg0, %c0_i32 : i32, i32
  }
  func.func @transform_1(%arg0: i32) -> (i32, i32) {
    %c0_i32 = arith.constant 0 : i32
    %c0_i32_0 = arith.constant 0 : i32
    return %arg0, %c0_i32 : i32, i32
  }
  func.func @transform_2(%arg0: i32) -> (i32, i32) {
    %c0_i32 = arith.constant 0 : i32
    %c0_i32_0 = arith.constant 0 : i32
    %c0_i32_1 = arith.constant 0 : i32
    return %c0_i32, %c0_i32_0 : i32, i32
  }
  func.func @transform_3(%arg0: i32) -> (i32, i32) {
    %c0_i32 = arith.constant 0 : i32
    %c0_i32_0 = arith.constant 0 : i32
    return %arg0, %c0_i32 : i32, i32
  }
}

module attributes {stable_mosaic.version = 14 : i64} {
  func.func @_mlp_body(%arg0: i32, %arg1: memref<272xi32, #tpu.memory_space<smem>>, %arg2: memref<256x128xf32, #tpu.memory_space<vmem>>, %arg3: memref<1x64x128xf32, #tpu.memory_space<vmem>>, %arg4: memref<1x128x16xf32, #tpu.memory_space<vmem>>, %arg5: memref<1x1x16xf32, #tpu.memory_space<vmem>>, %arg6: memref<1x64x128xf32, #tpu.memory_space<vmem>>, %arg7: memref<1x16x128xf32, #tpu.memory_space<vmem>>, %arg8: memref<1x128x128xf32, #tpu.memory_space<vmem>>, %arg9: memref<1x1x128xf32, #tpu.memory_space<vmem>>, %arg10: memref<256x128xf32, #tpu.memory_space<vmem>>) attributes {dimension_semantics = [#tpu.dimension_semantics<arbitrary>], iteration_bounds = array<i64: 264>, scalar_prefetch = 1 : i64, scratch_operands = 0 : i64, tpu.core_type = #tpu.core_type<tc>, window_params = [{transform_indices = @transform_0, window_bounds = array<i64: 256, 128>}, {transform_indices = @transform_1, window_bounds = array<i64: 1, 64, 128>}, {transform_indices = @transform_2, window_bounds = array<i64: 1, 128, 16>}, {transform_indices = @transform_3, window_bounds = array<i64: 1, 1, 16>}, {transform_indices = @transform_4, window_bounds = array<i64: 1, 64, 128>}, {transform_indices = @transform_5, window_bounds = array<i64: 1, 16, 128>}, {transform_indices = @transform_6, window_bounds = array<i64: 1, 128, 128>}, {transform_indices = @transform_7, window_bounds = array<i64: 1, 1, 128>}, {transform_indices = @transform_8, window_bounds = array<i64: 256, 128>}]} {
    %get3A = arith.constant 0 : index
    %get3A_0 = arith.constant 0 : index
    %get3A_1 = vector.load %arg2[%get3A, %get3A_0] : memref<256x128xf32, #tpu.memory_space<vmem>>, vector<256x128xf32>
    %slice3A = vector.extract_strided_slice %get3A_1 {offsets = [0, 0], sizes = [256, 64], strides = [1, 1]} : vector<256x128xf32> to vector<256x64xf32>
    %slice3A_2 = vector.extract_strided_slice %get3A_1 {offsets = [0, 64], sizes = [256, 64], strides = [1, 1]} : vector<256x128xf32> to vector<256x64xf32>
    %get3A_3 = arith.constant 0 : index
    %get3A_4 = arith.constant 0 : index
    %get3A_5 = arith.constant 0 : index
    %get3A_6 = vector.load %arg3[%get3A_3, %get3A_4, %get3A_5] : memref<1x64x128xf32, #tpu.memory_space<vmem>>, vector<1x64x128xf32>
    %get3A_7 = vector.shape_cast %get3A_6 : vector<1x64x128xf32> to vector<64x128xf32>
    %dot_general3A = arith.constant dense<0.000000e+00> : vector<256x128xf32>
    %dot_general3A_8 = tpu.matmul %slice3A, %get3A_7, %dot_general3A {dimension_numbers = #tpu.dot_dimension_numbers<[1], [0], [0], [1], [0, 0, 1, 1], [], []>, transpose_lhs_hint = false} : vector<256x64xf32>, vector<64x128xf32>, vector<256x128xf32> -> vector<256x128xf32>
    %max3A = arith.constant 0.000000e+00 : f32
    %max3A_9 = vector.broadcast %max3A : f32 to vector<256x128xf32>
    %max3A_10 = arith.maximumf %dot_general3A_8, %max3A_9 : vector<256x128xf32>
    %get3A_11 = arith.constant 0 : index
    %get3A_12 = arith.constant 0 : index
    %get3A_13 = arith.constant 0 : index
    %get3A_14 = vector.load %arg4[%get3A_11, %get3A_12, %get3A_13] : memref<1x128x16xf32, #tpu.memory_space<vmem>>, vector<1x128x16xf32>
    %get3A_15 = vector.shape_cast %get3A_14 : vector<1x128x16xf32> to vector<128x16xf32>
    %dot_general3A_16 = arith.constant dense<0.000000e+00> : vector<256x16xf32>
    %dot_general3A_17 = tpu.matmul %max3A_10, %get3A_15, %dot_general3A_16 {dimension_numbers = #tpu.dot_dimension_numbers<[1], [0], [0], [1], [0, 0, 1, 1], [], []>, transpose_lhs_hint = false} : vector<256x128xf32>, vector<128x16xf32>, vector<256x16xf32> -> vector<256x16xf32>
    %get3A_18 = arith.constant 0 : index
    %get3A_19 = arith.constant 0 : index
    %get3A_20 = arith.constant 0 : index
    %get3A_21 = vector.load %arg5[%get3A_18, %get3A_19, %get3A_20] : memref<1x1x16xf32, #tpu.memory_space<vmem>>, vector<1x1x16xf32>
    %get3A_22 = vector.shape_cast %get3A_21 : vector<1x1x16xf32> to vector<1x16xf32>
    %add3A = vector.broadcast %get3A_22 : vector<1x16xf32> to vector<256x16xf32>
    %add3A_23 = arith.addf %dot_general3A_17, %add3A : vector<256x16xf32>
    %get3A_24 = arith.constant 0 : index
    %get3A_25 = arith.constant 0 : index
    %get3A_26 = arith.constant 0 : index
    %get3A_27 = vector.load %arg6[%get3A_24, %get3A_25, %get3A_26] : memref<1x64x128xf32, #tpu.memory_space<vmem>>, vector<1x64x128xf32>
    %get3A_28 = vector.shape_cast %get3A_27 : vector<1x64x128xf32> to vector<64x128xf32>
    %dot_general3A_29 = arith.constant dense<0.000000e+00> : vector<256x128xf32>
    %dot_general3A_30 = tpu.matmul %slice3A_2, %get3A_28, %dot_general3A_29 {dimension_numbers = #tpu.dot_dimension_numbers<[1], [0], [0], [1], [0, 0, 1, 1], [], []>, transpose_lhs_hint = false} : vector<256x64xf32>, vector<64x128xf32>, vector<256x128xf32> -> vector<256x128xf32>
    %get3A_31 = arith.constant 0 : index
    %get3A_32 = arith.constant 0 : index
    %get3A_33 = arith.constant 0 : index
    %get3A_34 = vector.load %arg7[%get3A_31, %get3A_32, %get3A_33] : memref<1x16x128xf32, #tpu.memory_space<vmem>>, vector<1x16x128xf32>
    %get3A_35 = vector.shape_cast %get3A_34 : vector<1x16x128xf32> to vector<16x128xf32>
    %dot_general3A_36 = arith.constant dense<0.000000e+00> : vector<256x128xf32>
    %dot_general3A_37 = tpu.matmul %add3A_23, %get3A_35, %dot_general3A_36 {dimension_numbers = #tpu.dot_dimension_numbers<[1], [0], [0], [1], [0, 0, 1, 1], [], []>, transpose_lhs_hint = false} : vector<256x16xf32>, vector<16x128xf32>, vector<256x128xf32> -> vector<256x128xf32>
    %add3A_38 = arith.addf %dot_general3A_30, %dot_general3A_37 : vector<256x128xf32>
    %max3A_39 = arith.constant 0.000000e+00 : f32
    %max3A_40 = vector.broadcast %max3A_39 : f32 to vector<256x128xf32>
    %max3A_41 = arith.maximumf %add3A_38, %max3A_40 : vector<256x128xf32>
    %get3A_42 = arith.constant 0 : index
    %get3A_43 = arith.constant 0 : index
    %get3A_44 = arith.constant 0 : index
    %get3A_45 = vector.load %arg8[%get3A_42, %get3A_43, %get3A_44] : memref<1x128x128xf32, #tpu.memory_space<vmem>>, vector<1x128x128xf32>
    %get3A_46 = vector.shape_cast %get3A_45 : vector<1x128x128xf32> to vector<128x128xf32>
    %dot_general3A_47 = arith.constant dense<0.000000e+00> : vector<256x128xf32>
    %dot_general3A_48 = tpu.matmul %max3A_41, %get3A_46, %dot_general3A_47 {dimension_numbers = #tpu.dot_dimension_numbers<[1], [0], [0], [1], [0, 0, 1, 1], [], []>, transpose_lhs_hint = false} : vector<256x128xf32>, vector<128x128xf32>, vector<256x128xf32> -> vector<256x128xf32>
    %get3A_49 = arith.constant 0 : index
    %get3A_50 = arith.constant 0 : index
    %get3A_51 = arith.constant 0 : index
    %get3A_52 = vector.load %arg9[%get3A_49, %get3A_50, %get3A_51] : memref<1x1x128xf32, #tpu.memory_space<vmem>>, vector<1x1x128xf32>
    %get3A_53 = vector.shape_cast %get3A_52 : vector<1x1x128xf32> to vector<1x128xf32>
    %add3A_54 = vector.broadcast %get3A_53 : vector<1x128xf32> to vector<256x128xf32>
    %add3A_55 = arith.addf %dot_general3A_48, %add3A_54 : vector<256x128xf32>
    %iota3A = tpu.iota {dimensions = array<i32: 1>} : vector<256x128xi32>
    %eq3A = arith.constant 0 : i32
    %eq3A_56 = vector.broadcast %eq3A : i32 to vector<256x128xi32>
    %eq3A_57 = arith.cmpi eq, %iota3A, %eq3A_56 : vector<256x128xi32>
    %slice3A_58 = vector.extract_strided_slice %add3A_23 {offsets = [0, 0], sizes = [256, 1], strides = [1, 1]} : vector<256x16xf32> to vector<256x1xf32>
    %broadcast_in_dim3A = vector.shape_cast %slice3A_58 : vector<256x1xf32> to vector<256x1xf32>
    %broadcast_in_dim3A_59 = vector.broadcast %broadcast_in_dim3A : vector<256x1xf32> to vector<256x128xf32>
    %select_n3A = arith.select %eq3A_57, %broadcast_in_dim3A_59, %add3A_55 : vector<256x128xi1>, vector<256x128xf32>
    %jit3A = arith.constant -1.500000e+01 : f32
    %jit3A_60 = arith.constant 1.500000e+01 : f32
    %max3A_61 = vector.broadcast %jit3A : f32 to vector<256x128xf32>
    %max3A_62 = arith.maximumf %max3A_61, %select_n3A : vector<256x128xf32>
    %min3A = vector.broadcast %jit3A_60 : f32 to vector<256x128xf32>
    %min3A_63 = arith.minimumf %min3A, %max3A_62 : vector<256x128xf32>
    %exp3A = math.exp %min3A_63 : vector<256x128xf32>
    %logistic3A = arith.negf %select_n3A : vector<256x128xf32>
    %logistic3A_64 = math.exp %logistic3A : vector<256x128xf32>
    %logistic3A_65 = arith.constant 1.000000e+00 : f32
    %logistic3A_66 = vector.broadcast %logistic3A_65 : f32 to vector<256x128xf32>
    %logistic3A_67 = arith.addf %logistic3A_66, %logistic3A_64 : vector<256x128xf32>
    %logistic3A_68 = arith.divf %logistic3A_66, %logistic3A_67 : vector<256x128xf32>
    %select_n3A_69 = arith.select %eq3A_57, %exp3A, %logistic3A_68 : vector<256x128xi1>, vector<256x128xf32>
    %swap3A = arith.constant 0 : index
    %swap3A_70 = arith.constant 0 : index
    %swap3A_71 = vector.load %arg10[%swap3A, %swap3A_70] : memref<256x128xf32, #tpu.memory_space<vmem>>, vector<256x128xf32>
    tpu.vector_store %arg10[%swap3A, %swap3A_70], %select_n3A_69 {strides = array<i32>} : memref<256x128xf32, #tpu.memory_space<vmem>>, vector<256x128xf32>,
    return
  }
  func.func @transform_0(%arg0: i32, %arg1: memref<272xi32, #tpu.memory_space<smem>>) -> (i32, i32) {
    %c0_i32 = arith.constant 0 : i32
    %c0_i32_0 = arith.constant 0 : i32
    return %arg0, %c0_i32 : i32, i32
  }
  func.func @transform_1(%arg0: i32, %arg1: memref<272xi32, #tpu.memory_space<smem>>) -> (i32, i32, i32) {
    %get3A = arith.index_cast %arg0 : i32 to index
    %get3A_0 = memref.load %arg1[%get3A] : memref<272xi32, #tpu.memory_space<smem>>
    %c0_i32 = arith.constant 0 : i32
    %c0_i32_1 = arith.constant 0 : i32
    %c0_i32_2 = arith.constant 0 : i32
    return %get3A_0, %c0_i32, %c0_i32_1 : i32, i32, i32
  }
  func.func @transform_2(%arg0: i32, %arg1: memref<272xi32, #tpu.memory_space<smem>>) -> (i32, i32, i32) {
    %get3A = arith.index_cast %arg0 : i32 to index
    %get3A_0 = memref.load %arg1[%get3A] : memref<272xi32, #tpu.memory_space<smem>>
    %c0_i32 = arith.constant 0 : i32
    %c0_i32_1 = arith.constant 0 : i32
    %c0_i32_2 = arith.constant 0 : i32
    return %get3A_0, %c0_i32, %c0_i32_1 : i32, i32, i32
  }
  func.func @transform_3(%arg0: i32, %arg1: memref<272xi32, #tpu.memory_space<smem>>) -> (i32, i32, i32) {
    %get3A = arith.index_cast %arg0 : i32 to index
    %get3A_0 = memref.load %arg1[%get3A] : memref<272xi32, #tpu.memory_space<smem>>
    %c0_i32 = arith.constant 0 : i32
    %c0_i32_1 = arith.constant 0 : i32
    %c0_i32_2 = arith.constant 0 : i32
    return %get3A_0, %c0_i32, %c0_i32_1 : i32, i32, i32
  }
  func.func @transform_4(%arg0: i32, %arg1: memref<272xi32, #tpu.memory_space<smem>>) -> (i32, i32, i32) {
    %get3A = arith.index_cast %arg0 : i32 to index
    %get3A_0 = memref.load %arg1[%get3A] : memref<272xi32, #tpu.memory_space<smem>>
    %c0_i32 = arith.constant 0 : i32
    %c0_i32_1 = arith.constant 0 : i32
    %c0_i32_2 = arith.constant 0 : i32
    return %get3A_0, %c0_i32, %c0_i32_1 : i32, i32, i32
  }
  func.func @transform_5(%arg0: i32, %arg1: memref<272xi32, #tpu.memory_space<smem>>) -> (i32, i32, i32) {
    %get3A = arith.index_cast %arg0 : i32 to index
    %get3A_0 = memref.load %arg1[%get3A] : memref<272xi32, #tpu.memory_space<smem>>
    %c0_i32 = arith.constant 0 : i32
    %c0_i32_1 = arith.constant 0 : i32
    %c0_i32_2 = arith.constant 0 : i32
    return %get3A_0, %c0_i32, %c0_i32_1 : i32, i32, i32
  }
  func.func @transform_6(%arg0: i32, %arg1: memref<272xi32, #tpu.memory_space<smem>>) -> (i32, i32, i32) {
    %get3A = arith.index_cast %arg0 : i32 to index
    %get3A_0 = memref.load %arg1[%get3A] : memref<272xi32, #tpu.memory_space<smem>>
    %c0_i32 = arith.constant 0 : i32
    %c0_i32_1 = arith.constant 0 : i32
    %c0_i32_2 = arith.constant 0 : i32
    return %get3A_0, %c0_i32, %c0_i32_1 : i32, i32, i32
  }
  func.func @transform_7(%arg0: i32, %arg1: memref<272xi32, #tpu.memory_space<smem>>) -> (i32, i32, i32) {
    %get3A = arith.index_cast %arg0 : i32 to index
    %get3A_0 = memref.load %arg1[%get3A] : memref<272xi32, #tpu.memory_space<smem>>
    %c0_i32 = arith.constant 0 : i32
    %c0_i32_1 = arith.constant 0 : i32
    %c0_i32_2 = arith.constant 0 : i32
    return %get3A_0, %c0_i32, %c0_i32_1 : i32, i32, i32
  }
  func.func @transform_8(%arg0: i32, %arg1: memref<272xi32, #tpu.memory_space<smem>>) -> (i32, i32) {
    %c0_i32 = arith.constant 0 : i32
    %c0_i32_0 = arith.constant 0 : i32
    return %arg0, %c0_i32 : i32, i32
  }
}

</mosaic_0001>

<sc_bundles>
// kernel: kernel.10.cloned.1.call-start
scs
__scs_entry_jumppad:
0x0: {  	(pc) =	sbr.rel $0x88, $3  }
0x1: {  	(tag) =	ssettag $0x0;
	lr =	simm.s32 $0x1  }
0x2: {  	[smem:$0x3F95] =	sst lr;
	_ =	strace $0xD0000000  }
0x3: {  	_ = 	snop  }
0x4: {  	_ = 	snop  }
0x5: {  	_ = 	snop  }
0x6: {  	_ = 	snop  }
0x7: {  	_ = 	snop  }
__scs_overlays_trampoline_lowered:
0x8: {  	[smem:$0x3FA4] =	sst s0  }
0x9: {  	[smem:$0x3FA5] =	sst s1  }
0xa: {  	[smem:$0x3FA6] =	sst s2  }
0xb: {  	[smem:$0x3FA7] =	sst s3  }
0xc: {  	[smem:$0x3FA8] =	sst s4  }
0xd: {  	[smem:$0x3FA9] =	sst s5  }
0xe: {  	[smem:$0x3FAA] =	sst s6  }
0xf: {  	[smem:$0x3FAB] =	sst s7  }
0x10: {  	[smem:$0x3FAC] =	sst s8  }
0x11: {  	[smem:$0x3FAD] =	sst s9;
	s0 =	simm.s32 @!p0 $0x0  }
0x12: {  	s1 =	sld [smem:$0x3F93];
	s0 =	simm.s32 @p0 $0x1  }
0x13: {  	[smem:$0x3FAE] =	sst s0;
	s0 =	simm.s32 @!p1 $0x0  }
0x14: {  	s2 =	sld [smem:$0x3F92];
	s0 =	simm.s32 @p1 $0x1  }
0x15: {  	[smem:$0x3FAF] =	sst s0;
	s0 =	simm.s32 @!p2 $0x0  }
0x16: {  	s3 =	sld [smem:$0x3FDB];
	s0 =	simm.s32 @p2 $0x1  }
0x17: {  	s4 =	simm.s32 $0x1BF5;
	[smem:$0x3FB1] =	sst s0  }
0x18: {  	s0 =	sld [smem:$0x3F94];
	_ =	swait.ge [sflag:s4], $0x0  }
0x19: {  	s7 =	sld [smem:$0x3F95]  }
0x1a: {  	s8 =	sadd.s32 $0xFFFFE003, lr  }
0x1b: {  	s9 =	sadd.s32 $0xFFFFFEF7, lr;
	s5 =	simm.s32 $0xFFFFFFFF;
	p2 =	slt.u32 s8, $0xFFFFF086  }
0x1c: {  	p1 =	slt.u32 s9, $0xF7A;
	s5 =	simm.s32 @!p2 $0x0  }
0x1d: {  	s5 =	simm.s32 @p1 $0x1;
	p0 =	seq.s32 s7, s2  }
0x1e: {  	s7 =	smul.u32 @!p0 $0xF7A, s2;
	p2 =	seq.s32 @!p0 s5, $0x0  }
0x1f: {  	s9 =	smul.u32 $0xF7A, s1;
	s8 =	simm.s32 @!p0 $0x1BF5;
	p2 =	por !p2, p0  }
0x20: {  	[sflag:s8] =	ssyncset.s32 @!p0 $0xFFFFF086;
	s6 =	sadd.s32 @!p0 s3, s7;
	s7 =	simm.s32 @!p0 $0x108  }
0x21: {  	s3 =	sadd.s32 s3, s9;
	s6 =	sadd.s32 @!p0 $0x88, s6;
	s7 =	simm.s32 @p2 $0x1082  }
0x22: {  	[simem:s7], [sflag:s8] =	dma.local @!p0 [hbm:s6], $0xF7A  }
0x23: {  	s9 =	sor.u32 $0xD0000000, s2;
	s6 =	simm.s32 $0x108;
	_ =	swait.ge @!p0 [sflag:s8], $0x0  }
0x24: {  	s3 =	sadd.s32 $0x88, s3;
	s6 =	simm.s32 @!p1 $0x1082;
	[sflag:s4] =	ssyncset.s32 $0xFFFFF086  }
0x25: {  	[simem:s6], [sflag:s4] =	dma.local [hbm:s3], $0xF7A  }
0x26: {  	[smem:$0x3F95] =	sst s1;
	(tag) =	ssettag s2;
	_ =	strace s9  }
0x27: {  	s1 =	sld [smem:$0x3FA5]  }
0x28: {  	s2 =	sld [smem:$0x3FA6]  }
0x29: {  	s4 =	sld [smem:$0x3FA8]  }
0x2a: {  	p0 =	seq.s32 s5, $0x0;
	s5 =	sld [smem:$0x3FA9]  }
0x2b: {  	s6 =	sld [smem:$0x3FAA]  }
0x2c: {  	s7 =	sld [smem:$0x3FAB]  }
0x2d: {  	s3 =	simm.s32 $0x108;
	s8 =	sld [smem:$0x3FAC]  }
0x2e: {  	s3 =	simm.s32 @!p0 $0x1082;
	s9 =	sld [smem:$0x3FAD]  }
0x2f: {  	lr =	sadd.s32 s0, s3;
	s0 =	sld [smem:$0x3FA4]  }
0x30: {  	s3 =	sld [smem:$0x3FA7]  }
0x31: {  	[smem:$0x3FB0] =	sst s10  }
0x32: {  	s10 =	sld [smem:$0x3FAE];
	_ =	sdelay $0x3  }
0x33: {  	p0 =	seq.s32 s10, $0x1;
	s10 =	sld [smem:$0x3FB0];
	_ =	sdelay $0x3  }
0x34: {  	[smem:$0x3FB0] =	sst s10  }
0x35: {  	s10 =	sld [smem:$0x3FAF];
	_ =	sdelay $0x3  }
0x36: {  	p1 =	seq.s32 s10, $0x1;
	s10 =	sld [smem:$0x3FB0];
	_ =	sdelay $0x3  }
0x37: {  	[smem:$0x3FB0] =	sst s10  }
0x38: {  	s10 =	sld [smem:$0x3FB1]  }
0x39: {  	_ = 	snop;
	(pc) =	sbr.ind lr, $3  }
0x3a: {  	_ = 	snop  }
0x3b: {  	_ = 	snop  }
0x3c: {  	p2 =	seq.s32 s10, $0x1;
	s10 =	sld [smem:$0x3FB0]  }
0x3d: {  	_ =	shalt  }
0x3e: {  	_ =	shalt  }
0x3f: {  	_ =	shalt  }
0x40: {  	_ =	shalt  }
0x41: {  	_ =	shalt  }
0x42: {  	_ =	shalt  }
0x43: {  	_ =	shalt  }
0x44: {  	_ =	shalt  }
0x45: {  	_ =	shalt  }
0x46: {  	_ =	shalt  }
0x47: {  	_ =	shalt  }
0x48: {  	_ =	shalt  }
0x49: {  	_ =	shalt  }
0x4a: {  	_ =	shalt  }
0x4b: {  	_ =	shalt  }
0x4c: {  	_ =	shalt  }
0x4d: {  	_ =	shalt  }
0x4e: {  	_ =	shalt  }
0x4f: {  	_ =	shalt  }
0x50: {  	_ =	shalt  }
0x51: {  	_ =	shalt  }
0x52: {  	_ =	shalt  }
0x53: {  	_ =	shalt  }
0x54: {  	_ =	shalt  }
0x55: {  	_ =	shalt  }
0x56: {  	_ =	shalt  }
0x57: {  	_ =	shalt  }
0x58: {  	_ =	shalt  }
0x59: {  	_ =	shalt  }
0x5a: {  	_ =	shalt  }
0x5b: {  	_ =	shalt  }
0x5c: {  	_ =	shalt  }
0x5d: {  	_ =	shalt  }
0x5e: {  	_ =	shalt  }
0x5f: {  	_ =	shalt  }
0x60: {  	_ =	shalt  }
0x61: {  	_ =	shalt  }
0x62: {  	_ =	shalt  }
0x63: {  	_ =	shalt  }
0x64: {  	_ =	shalt  }
0x65: {  	_ =	shalt  }
0x66: {  	_ =	shalt  }
0x67: {  	_ =	shalt  }
0x68: {  	_ =	shalt  }
0x69: {  	_ =	shalt  }
0x6a: {  	_ =	shalt  }
0x6b: {  	_ =	shalt  }
0x6c: {  	_ =	shalt  }
0x6d: {  	_ =	shalt  }
0x6e: {  	_ =	shalt  }
0x6f: {  	_ =	shalt  }
0x70: {  	_ =	shalt  }
0x71: {  	_ =	shalt  }
0x72: {  	_ =	shalt  }
0x73: {  	_ =	shalt  }
0x74: {  	_ =	shalt  }
0x75: {  	_ =	shalt  }
0x76: {  	_ =	shalt  }
0x77: {  	_ =	shalt  }
0x78: {  	_ =	shalt  }
0x79: {  	_ =	shalt  }
0x7a: {  	_ =	shalt  }
0x7b: {  	_ =	shalt  }
0x7c: {  	_ =	shalt  }
0x7d: {  	_ =	shalt  }
0x7e: {  	_ =	shalt  }
0x7f: {  	_ =	shalt  }
0x80: {  	_ =	shalt  }
0x81: {  	_ =	shalt  }
0x82: {  	_ =	shalt  }
0x83: {  	_ =	shalt  }
0x84: {  	_ =	shalt  }
0x85: {  	_ =	shalt  }
0x86: {  	_ =	shalt  }
0x87: {  	_ =	shalt  }
.Lfunc_end0:
.L_simem_size_0:
called_computation.1_lowered:
.L_overlay_start_0:
0x88: {  	s2 =	sld [smem:$0x3FD9]  }
0x89: {  	s3 =	sld [smem:$0x3FFE];
	_ =	sdelay $0x1  }
0x8a: {  	s1 =	srdreg.scid  }
0x8b: {  	s0 =	sand.u32 $0x1, s1  }
0x8c: {  	s14 =	sshll.u32 s0, $0xA;
	s2 =	sadd.s32 s3, s2  }
0x8d: {  	s2 =	sadd.s32 s2, s14  }
0x8e: {  	[smem:$0x3FBC] =	sst s2  }
0x8f: {  	_ = 	snop  }
0x90: {  	s2 =	sld [smem:$0x3FD0];
	_ =	sdelay $0x2  }
0x91: {  	s15 =	simm.s32 $0xA;
	s4 =	simm.s32 $0x10  }
0x92: {  	[smem:s4], [sflag:s15] =	dma.local [hbm:s2], $0x1  }
0x93: {  	_ =	swait.eq [sflag:s15], $0x1  }
0x94: {  	[sflag:s15] =	ssyncset.done $0x0  }
0x95: {  	[sflag:s15] =	ssyncadd.s32 $0xFFFFFFFF  }
0x96: {  	s16 =	sld [smem:$0x10];
	(tm) =	ssettm $0x1  }
0x97: {  	s17 =	sld [smem:$0x3FFB];
	_ =	sdelay $0x3  }
0x98: {  	_ =	strace s17  }
0x99: {  	s3 =	sld [smem:$0x3FFC];
	_ =	sdelay $0x3  }
0x9a: {  	_ =	strace s3  }
0x9b: {  	s3 =	sld [smem:$0x3FFD];
	_ =	sdelay $0x3  }
0x9c: {  	_ =	strace s3  }
0x9d: {  	_ =	strace $0x8FFFFFFF  }
0x9e: {  	s18 =	sld [smem:$0x3FDB];
	_ =	sdelay $0x1  }
0x9f: {  	s19 =	simm.s32 $_scs_section_size  }
0xa0: {  	s5 =	simm.s32 $_size__tile_overlayer_lowered;
	s6 =	simm.s32 $_tile_overlayer_lowered  }
0xa1: {  	s22 =	simm.s32 $0x1BFF;
	s21 =	sshll.u32 s6, $0x1;
	s3 =	sadd.s32 s19, s18  }
0xa2: {  	s7 =	simm.s32 $0x0;
	s20 =	sshll.u32 s5, $0x1;
	s5 =	sadd.s32 s21, s3  }
0xa3: {  	[timem:s7], [sflag:s22] =	dma.local [hbm:s5], s20  }
0xa4: {  	_ =	swait.ge [sflag:s22], s20  }
0xa5: {  	s4 =	ssub.s32 $0x0, s20;
	[sflag:s22] =	ssyncset.done $0x0  }
0xa6: {  	[sflag:s22] =	ssyncadd.s32 s4;
	_ =	sdelay $0x1  }
0xa7: {  	s23 =	simm.s32 $0x1B8B  }
0xa8: {  	_ =	swait.ge [sflag:s23], $0x1  }
0xa9: {  	[sflag:s23] =	ssyncset.done $0x0  }
0xaa: {  	s25 =	simm.s32 $0x1B8E;
	s24 =	sld [smem:$0x3FFE];
	[sflag:s23] =	ssyncadd.s32 $0xFFFFFFFF  }
0xab: {  	s26 =	simm.s32 $execute0_lowered;
	[smem:$0x3FD2] =	sst s25  }
0xac: {  	s5 =	sshll.u32 s26, $0x1;
	_ =	strace $0x80000049;
	[dreg:$0x1] =	wrdreg $0xFFFFFFFF  }
0xad: {  	s28 =	simm.s32 $_size_execute0_lowered;
	s3 =	sadd.s32 s3, s5;
	[dreg:$0x0] =	wrdreg $0x0  }
0xae: {  	s5 =	sshll.u32 s28, $0x1;
	[dreg:$0x2] =	wrdreg s3  }
0xaf: {  	[dreg:$0x3] =	wrdreg s5  }
0xb0: {  	[dreg:$0x4] =	wrdreg $0xC0  }
0xb1: {  	_ =	task [dreg:s7], $0x5FFFF  }
0xb2: {  	[dreg:$0x1] =	wrdreg $0xFFFFFFFF  }
0xb3: {  	[dreg:$0x0] =	wrdreg $0x60  }
0xb4: {  	[dreg:$0x2] =	wrdreg s16  }
0xb5: {  	[dreg:$0x3] =	wrdreg s24  }
0xb6: {  	[dreg:$0x4] =	wrdreg $0x9  }
0xb7: {  	_ =	task.clear_ibuf [dreg:s7], $0x5FFFF;
	_ =	strace $0x90000049  }
0xb8: {  	s29 =	simm.s32 $0x9;
	_ =	strace $0x8000004B  }
0xb9: {  	_ =	swait.ge [sflag:s29], $0x1  }
0xba: {  	[sflag:s29] =	ssyncadd.s32 $0xFFFFFFFF  }
0xbb: {  	_ =	strace $0x9000004B  }
0xbc: {  	_ =	sfence  }
0xbd: {  	s30 =	sld [smem:$0x0];
	_ =	sdelay $0x2  }
0xbe: {  	s31 =	sshll.u32 s1, $0xD;
	s1 =	sshrl.u32 s1, $0x2  }
0xbf: {  	s3 =	sand.u32 $0x4000, s31;
	s1 =	sadd.s32 s1, s30  }
0xc0: {  	s0 =	sor.u32 s3, s0;
	s1 =	sshll.u32 s1, $0x11  }
0xc1: {  	s0 =	sor.u32 s1, s0  }
0xc2: {  	s0 =	sadd.s32 $0x8F2B, s0  }
0xc3: {  	[sflag:s0] =	ssyncadd.remote.s32 $0x1  }
0xc4: {  	_ =	sfence.sel $0xFFFF  }
0xc5: {  	[dreg:$0x0] =	wrdreg $0xFFFFFFFF;
	(pc) =	sbr.abs _section_cstart, $3  }
0xc6: {  	[dreg:$0x1] =	wrdreg $0xFFFFFFFF  }
0xc7: {  	_ =	task.clear_ibuf [dreg:s7], $0x2FFFF;
	_ =	strace $0x9FFFFFFF  }
0xc8: {  	(tm) =	ssettm $0x7FFFFFFF  }
0xc9: {  	_ =	shalt  }
tec
execute0_lowered:
.L_overlay_start_1:
0x0: {  	(tag) =	ssettag $0x1  }
0x1: {  	s6 =	rddreg [dreg:$0x0]  }
0x2: {  	s4 =	rddreg [dreg:$0x1]  }
0x3: {  	s0 =	rddreg [dreg:$0x2];
	s2 =	simm.s32 $0x0;
	s1 =	stileid.u32  }
0x4: {  	s3 =	srdreg.scid;
	[smem:$0x7FF] =	sst s2  }
0x5: {  	s5 =	sshll.u32 s1, $0x10;
	s7 =	sand.u32 $0x1, s3;
	s3 =	sadd.s32 $0x10B400, s4  }
0x6: {  	s9 =	sshll.u32 s1, $0xC;
	_ =	strace $0x8000004A;
	s5 =	sadd.s32 s5, s4  }
0x7: {  	s29 =	ssub.s32 $0x2, s7;
	s10 =	sshll.u32 s7, $0xB;
	s7 =	sshll.u32 s7, $0xF  }
0x8: {  	s8 =	sshrl.u32 s29, $0x1;
	s30 =	sor.u32 s10, s9;
	s5 =	sadd.s32 s7, s5  }
0x9: {  	s7 =	simm.s32 $0x2;
	s9 =	simm.s32 $0x1;
	s10 =	simm.s32 $0x0  }
0xa: {  	s4 =	ssub.s32 s29, s8;
	s31 =	sshrl.u32 s30, $0x3;
	s5 =	sadd.s32 $0x3400, s5  }
0xb: {  	s8 =	simm.s32 $0x80;
	s4 =	smax.u32 s4, $0x1;
	s6 =	sadd.s32 s31, s6  }
.LBB2_1:
0xc: {  	s11 =	sadd.s32 $0x0, s6  }
0xd: {  	[tilespmem:s2], [sflag:$0x2] =	stream.linear.gather [hbm4b:s11+s2], $0x80, $0x38;
	[tilespmem:$0x4080] =	vst v63  }
0xe: {  	_ =	swait.ge [sflag:s7], $0x80  }
0xf: {  	[sflag:s7] =	ssyncset.done $0x0  }
0x10: {  	[sflag:s7] =	ssyncadd.s32 $0xFFFFFF80  }
0x11: {  	[tilespmem:s8], [sflag:$0x1] =	stream.indirect.gather [hbm4b:s3+s8], $0x80, s2, s8, $0xb8;
	[tilespmem:$0x4080] =	vst v63  }
0x12: {  	_ =	swait.ge [sflag:s9], $0x4000  }
0x13: {  	[sflag:s9] =	ssyncset.done $0x0  }
0x14: {  	[sflag:s9] =	ssyncadd.s32 $0xFFFFC000  }
0x15: {  	[hbm4b:s5+s2] =	stream.linear.scatter [tilespmem:s8], [sflag:$0x2], $0x4000, $0x38;
	[tilespmem:$0x4080] =	vst v63  }
0x16: {  	s12 =	simm.s32 $0x10;
	_ =	swait.ge [sflag:s7], $0x4000  }
0x17: {  	s13 =	simm.s32 $0x20;
	s11 =	sadd.s32 $0x800, s5;
	[sflag:s7] =	ssyncset.done $0x0  }
.LBB2_2:
0x18: {  	s14 =	sadd.s32 s12, s6  }
0x19: {  	[sflag:s7] =	ssyncadd.s32 $0xFFFFC000;
	s12 =	smov.u32 s13;
	s15 =	sadd.s32 $0x10, s13  }
0x1a: {  	[tilespmem:s2], [sflag:$0x2] =	stream.linear.gather [hbm4b:s14+s2], $0x80, $0x38;
	[tilespmem:$0x4080] =	vst v63  }
0x1b: {  	p0 =	sne.s32 s13, $0xF0;
	_ =	swait.ge [sflag:s7], $0x80  }
0x1c: {  	[sflag:s7] =	ssyncset.done $0x0  }
0x1d: {  	[sflag:s7] =	ssyncadd.s32 $0xFFFFFF80  }
0x1e: {  	[tilespmem:s8], [sflag:$0x1] =	stream.indirect.gather [hbm4b:s3+s8], $0x80, s2, s8, $0xb8;
	[tilespmem:$0x4080] =	vst v63  }
0x1f: {  	_ =	swait.ge [sflag:s9], $0x4000  }
.Ltmp0:
0x20: {  	[sflag:s9] =	ssyncset.done $0x0;
	(pc) =	sbr.rel @p0 .LBB2_2-.Ltmp0, $4  }
0x21: {  	[sflag:s9] =	ssyncadd.s32 $0xFFFFC000  }
0x22: {  	[hbm4b:s11+s2] =	stream.linear.scatter [tilespmem:s8], [sflag:$0x2], $0x4000, $0x38;
	[tilespmem:$0x4080] =	vst v63  }
0x23: {  	_ =	swait.ge [sflag:s7], $0x4000  }
0x24: {  	s13 =	smov.u32 s15;
	s11 =	sadd.s32 $0x800, s11;
	[sflag:s7] =	ssyncset.done $0x0  }
0x25: {  	s12 =	sadd.s32 s12, s6;
	[sflag:s7] =	ssyncadd.s32 $0xFFFFC000  }
0x26: {  	[tilespmem:s2], [sflag:$0x2] =	stream.linear.gather [hbm4b:s12+s2], $0x80, $0x38;
	[tilespmem:$0x4080] =	vst v63  }
0x27: {  	_ =	swait.ge [sflag:s7], $0x80  }
0x28: {  	[sflag:s7] =	ssyncset.done $0x0  }
0x29: {  	[sflag:s7] =	ssyncadd.s32 $0xFFFFFF80  }
0x2a: {  	[tilespmem:s8], [sflag:$0x1] =	stream.indirect.gather [hbm4b:s3+s8], $0x80, s2, s8, $0xb8;
	[tilespmem:$0x4080] =	vst v63  }
0x2b: {  	s10 =	sadd.s32 $0x1, s10;
	_ =	swait.ge [sflag:s9], $0x4000  }
0x2c: {  	p0 =	sne.s32 s10, s4;
	[sflag:s9] =	ssyncset.done $0x0  }
.Ltmp1:
0x2d: {  	[sflag:s9] =	ssyncadd.s32 $0xFFFFC000;
	(pc) =	sbr.rel @p0 .LBB2_1-.Ltmp1, $4  }
0x2e: {  	[hbm4b:s11+s2] =	stream.linear.scatter [tilespmem:s8], [sflag:$0x2], $0x4000, $0x38;
	[tilespmem:$0x4080] =	vst v63  }
0x2f: {  	_ =	swait.ge [sflag:s7], $0x4000  }
0x30: {  	[sflag:s7] =	ssyncset.done $0x0  }
0x31: {  	[sflag:s7] =	ssyncadd.s32 $0xFFFFC000  }
0x32: {  	_ =	sfence.sel $0x180000  }
0x33: {  	[bflag:$0x0] =	sbarrier.arrive $0xFFFF  }
0x34: {  	p0 =	sne.s32 s1, $0x0;
	_ =	strace $0x9000004A  }
0x35: {  	s0 =	sadd.s32 @!p0 $0x100000, s0;
	[bflag:$0x2] =	sbarrier.arrive $0xFFFF  }
0x36: {  	[sflag:s0] =	ssyncadd.tile.s32 @!p0 $0x1;
	_ =	shalt  }
.Lfunc_end2:
_tile_overlayer_lowered:
.L_overlay_start_2:
0x37: {  	(tag) =	ssettag $0x2  }
0x38: {  	s0 =	rddreg [dreg:$0x0];
	s2 =	stileid.u32  }
0x39: {  	s1 =	rddreg [dreg:$0x1];
	p0 =	sne.s32 s2, $0x0  }
0x3a: {  	s3 =	rddreg [dreg:$0x2];
	[bflag:$0x3] =	sbarrier.arrive $0xFFFF;
	s2 =	simm.s32 @!p0 $0x1C02  }
0x3b: {  	[timem:s3], [sflag:s2] =	dma.local @!p0 [hbm:s0], s1  }
0x3c: {  	s0 =	simm.s32 @!p0 $0x2  }
0x3d: {  	_ =	swait.ge @!p0 [sflag:s0], s1  }
0x3e: {  	s1 =	ssub.s32 @!p0 $0x0, s1;
	[sflag:s0] =	ssyncset.done @!p0 $0x0  }
0x3f: {  	[sflag:s0] =	ssyncadd.s32 @!p0 s1  }
0x40: {  	[bflag:$0x3] =	sbarrier.arrive $0xFFFF  }
0x41: {  	_ =	shalt  }

// kernel: kernel.7.cloned.1.call-start
scs
__scs_entry_jumppad:
0x0: {  	(pc) =	sbr.rel $0x88, $3  }
0x1: {  	(tag) =	ssettag $0x0;
	lr =	simm.s32 $0x1  }
0x2: {  	[smem:$0x3F95] =	sst lr;
	_ =	strace $0xD0000000  }
0x3: {  	_ = 	snop  }
0x4: {  	_ = 	snop  }
0x5: {  	_ = 	snop  }
0x6: {  	_ = 	snop  }
0x7: {  	_ = 	snop  }
__scs_overlays_trampoline_lowered:
0x8: {  	[smem:$0x3FA4] =	sst s0  }
0x9: {  	[smem:$0x3FA5] =	sst s1  }
0xa: {  	[smem:$0x3FA6] =	sst s2  }
0xb: {  	[smem:$0x3FA7] =	sst s3  }
0xc: {  	[smem:$0x3FA8] =	sst s4  }
0xd: {  	[smem:$0x3FA9] =	sst s5  }
0xe: {  	[smem:$0x3FAA] =	sst s6  }
0xf: {  	[smem:$0x3FAB] =	sst s7  }
0x10: {  	[smem:$0x3FAC] =	sst s8  }
0x11: {  	[smem:$0x3FAD] =	sst s9;
	s0 =	simm.s32 @!p0 $0x0  }
0x12: {  	s1 =	sld [smem:$0x3F93];
	s0 =	simm.s32 @p0 $0x1  }
0x13: {  	[smem:$0x3FAE] =	sst s0;
	s0 =	simm.s32 @!p1 $0x0  }
0x14: {  	s2 =	sld [smem:$0x3F92];
	s0 =	simm.s32 @p1 $0x1  }
0x15: {  	[smem:$0x3FAF] =	sst s0;
	s0 =	simm.s32 @!p2 $0x0  }
0x16: {  	s3 =	sld [smem:$0x3FDB];
	s0 =	simm.s32 @p2 $0x1  }
0x17: {  	s4 =	simm.s32 $0x1BF5;
	[smem:$0x3FB1] =	sst s0  }
0x18: {  	s0 =	sld [smem:$0x3F94];
	_ =	swait.ge [sflag:s4], $0x0  }
0x19: {  	s7 =	sld [smem:$0x3F95]  }
0x1a: {  	s8 =	sadd.s32 $0xFFFFE003, lr  }
0x1b: {  	s9 =	sadd.s32 $0xFFFFFEF7, lr;
	s5 =	simm.s32 $0xFFFFFFFF;
	p2 =	slt.u32 s8, $0xFFFFF086  }
0x1c: {  	p1 =	slt.u32 s9, $0xF7A;
	s5 =	simm.s32 @!p2 $0x0  }
0x1d: {  	s5 =	simm.s32 @p1 $0x1;
	p0 =	seq.s32 s7, s2  }
0x1e: {  	s7 =	smul.u32 @!p0 $0xF7A, s2;
	p2 =	seq.s32 @!p0 s5, $0x0  }
0x1f: {  	s9 =	smul.u32 $0xF7A, s1;
	s8 =	simm.s32 @!p0 $0x1BF5;
	p2 =	por !p2, p0  }
0x20: {  	[sflag:s8] =	ssyncset.s32 @!p0 $0xFFFFF086;
	s6 =	sadd.s32 @!p0 s3, s7;
	s7 =	simm.s32 @!p0 $0x108  }
0x21: {  	s3 =	sadd.s32 s3, s9;
	s6 =	sadd.s32 @!p0 $0x88, s6;
	s7 =	simm.s32 @p2 $0x1082  }
0x22: {  	[simem:s7], [sflag:s8] =	dma.local @!p0 [hbm:s6], $0xF7A  }
0x23: {  	s9 =	sor.u32 $0xD0000000, s2;
	s6 =	simm.s32 $0x108;
	_ =	swait.ge @!p0 [sflag:s8], $0x0  }
0x24: {  	s3 =	sadd.s32 $0x88, s3;
	s6 =	simm.s32 @!p1 $0x1082;
	[sflag:s4] =	ssyncset.s32 $0xFFFFF086  }
0x25: {  	[simem:s6], [sflag:s4] =	dma.local [hbm:s3], $0xF7A  }
0x26: {  	[smem:$0x3F95] =	sst s1;
	(tag) =	ssettag s2;
	_ =	strace s9  }
0x27: {  	s1 =	sld [smem:$0x3FA5]  }
0x28: {  	s2 =	sld [smem:$0x3FA6]  }
0x29: {  	s4 =	sld [smem:$0x3FA8]  }
0x2a: {  	p0 =	seq.s32 s5, $0x0;
	s5 =	sld [smem:$0x3FA9]  }
0x2b: {  	s6 =	sld [smem:$0x3FAA]  }
0x2c: {  	s7 =	sld [smem:$0x3FAB]  }
0x2d: {  	s3 =	simm.s32 $0x108;
	s8 =	sld [smem:$0x3FAC]  }
0x2e: {  	s3 =	simm.s32 @!p0 $0x1082;
	s9 =	sld [smem:$0x3FAD]  }
0x2f: {  	lr =	sadd.s32 s0, s3;
	s0 =	sld [smem:$0x3FA4]  }
0x30: {  	s3 =	sld [smem:$0x3FA7]  }
0x31: {  	[smem:$0x3FB0] =	sst s10  }
0x32: {  	s10 =	sld [smem:$0x3FAE];
	_ =	sdelay $0x3  }
0x33: {  	p0 =	seq.s32 s10, $0x1;
	s10 =	sld [smem:$0x3FB0];
	_ =	sdelay $0x3  }
0x34: {  	[smem:$0x3FB0] =	sst s10  }
0x35: {  	s10 =	sld [smem:$0x3FAF];
	_ =	sdelay $0x3  }
0x36: {  	p1 =	seq.s32 s10, $0x1;
	s10 =	sld [smem:$0x3FB0];
	_ =	sdelay $0x3  }
0x37: {  	[smem:$0x3FB0] =	sst s10  }
0x38: {  	s10 =	sld [smem:$0x3FB1]  }
0x39: {  	_ = 	snop;
	(pc) =	sbr.ind lr, $3  }
0x3a: {  	_ = 	snop  }
0x3b: {  	_ = 	snop  }
0x3c: {  	p2 =	seq.s32 s10, $0x1;
	s10 =	sld [smem:$0x3FB0]  }
0x3d: {  	_ =	shalt  }
0x3e: {  	_ =	shalt  }
0x3f: {  	_ =	shalt  }
0x40: {  	_ =	shalt  }
0x41: {  	_ =	shalt  }
0x42: {  	_ =	shalt  }
0x43: {  	_ =	shalt  }
0x44: {  	_ =	shalt  }
0x45: {  	_ =	shalt  }
0x46: {  	_ =	shalt  }
0x47: {  	_ =	shalt  }
0x48: {  	_ =	shalt  }
0x49: {  	_ =	shalt  }
0x4a: {  	_ =	shalt  }
0x4b: {  	_ =	shalt  }
0x4c: {  	_ =	shalt  }
0x4d: {  	_ =	shalt  }
0x4e: {  	_ =	shalt  }
0x4f: {  	_ =	shalt  }
0x50: {  	_ =	shalt  }
0x51: {  	_ =	shalt  }
0x52: {  	_ =	shalt  }
0x53: {  	_ =	shalt  }
0x54: {  	_ =	shalt  }
0x55: {  	_ =	shalt  }
0x56: {  	_ =	shalt  }
0x57: {  	_ =	shalt  }
0x58: {  	_ =	shalt  }
0x59: {  	_ =	shalt  }
0x5a: {  	_ =	shalt  }
0x5b: {  	_ =	shalt  }
0x5c: {  	_ =	shalt  }
0x5d: {  	_ =	shalt  }
0x5e: {  	_ =	shalt  }
0x5f: {  	_ =	shalt  }
0x60: {  	_ =	shalt  }
0x61: {  	_ =	shalt  }
0x62: {  	_ =	shalt  }
0x63: {  	_ =	shalt  }
0x64: {  	_ =	shalt  }
0x65: {  	_ =	shalt  }
0x66: {  	_ =	shalt  }
0x67: {  	_ =	shalt  }
0x68: {  	_ =	shalt  }
0x69: {  	_ =	shalt  }
0x6a: {  	_ =	shalt  }
0x6b: {  	_ =	shalt  }
0x6c: {  	_ =	shalt  }
0x6d: {  	_ =	shalt  }
0x6e: {  	_ =	shalt  }
0x6f: {  	_ =	shalt  }
0x70: {  	_ =	shalt  }
0x71: {  	_ =	shalt  }
0x72: {  	_ =	shalt  }
0x73: {  	_ =	shalt  }
0x74: {  	_ =	shalt  }
0x75: {  	_ =	shalt  }
0x76: {  	_ =	shalt  }
0x77: {  	_ =	shalt  }
0x78: {  	_ =	shalt  }
0x79: {  	_ =	shalt  }
0x7a: {  	_ =	shalt  }
0x7b: {  	_ =	shalt  }
0x7c: {  	_ =	shalt  }
0x7d: {  	_ =	shalt  }
0x7e: {  	_ =	shalt  }
0x7f: {  	_ =	shalt  }
0x80: {  	_ =	shalt  }
0x81: {  	_ =	shalt  }
0x82: {  	_ =	shalt  }
0x83: {  	_ =	shalt  }
0x84: {  	_ =	shalt  }
0x85: {  	_ =	shalt  }
0x86: {  	_ =	shalt  }
0x87: {  	_ =	shalt  }
.Lfunc_end0:
.L_simem_size_0:
called_computation_lowered:
.L_overlay_start_0:
0x88: {  	s2 =	sld [smem:$0x3FD9]  }
0x89: {  	s3 =	sld [smem:$0x3FFE];
	_ =	sdelay $0x1  }
0x8a: {  	s1 =	srdreg.scid  }
0x8b: {  	s0 =	sand.u32 $0x1, s1  }
0x8c: {  	s14 =	sshll.u32 s0, $0xA;
	s2 =	sadd.s32 s3, s2  }
0x8d: {  	s2 =	sadd.s32 s2, s14  }
0x8e: {  	[smem:$0x3FBC] =	sst s2  }
0x8f: {  	_ = 	snop  }
0x90: {  	s2 =	sld [smem:$0x3FD0];
	_ =	sdelay $0x2  }
0x91: {  	s15 =	simm.s32 $0xA;
	s4 =	simm.s32 $0x10  }
0x92: {  	[smem:s4], [sflag:s15] =	dma.local [hbm:s2], $0x1  }
0x93: {  	_ =	swait.eq [sflag:s15], $0x1  }
0x94: {  	[sflag:s15] =	ssyncset.done $0x0  }
0x95: {  	[sflag:s15] =	ssyncadd.s32 $0xFFFFFFFF  }
0x96: {  	s16 =	sld [smem:$0x10];
	(tm) =	ssettm $0x1  }
0x97: {  	s17 =	sld [smem:$0x3FFB];
	_ =	sdelay $0x3  }
0x98: {  	_ =	strace s17  }
0x99: {  	s3 =	sld [smem:$0x3FFC];
	_ =	sdelay $0x3  }
0x9a: {  	_ =	strace s3  }
0x9b: {  	s3 =	sld [smem:$0x3FFD];
	_ =	sdelay $0x3  }
0x9c: {  	_ =	strace s3  }
0x9d: {  	_ =	strace $0x8FFFFFFF  }
0x9e: {  	s18 =	sld [smem:$0x3FDB];
	_ =	sdelay $0x1  }
0x9f: {  	s19 =	simm.s32 $_scs_section_size  }
0xa0: {  	s5 =	simm.s32 $_size__tile_overlayer_lowered;
	s6 =	simm.s32 $_tile_overlayer_lowered  }
0xa1: {  	s22 =	simm.s32 $0x1BFF;
	s21 =	sshll.u32 s6, $0x1;
	s3 =	sadd.s32 s19, s18  }
0xa2: {  	s7 =	simm.s32 $0x0;
	s20 =	sshll.u32 s5, $0x1;
	s5 =	sadd.s32 s21, s3  }
0xa3: {  	[timem:s7], [sflag:s22] =	dma.local [hbm:s5], s20  }
0xa4: {  	_ =	swait.ge [sflag:s22], s20  }
0xa5: {  	s4 =	ssub.s32 $0x0, s20;
	[sflag:s22] =	ssyncset.done $0x0  }
0xa6: {  	[sflag:s22] =	ssyncadd.s32 s4;
	_ =	sdelay $0x1  }
0xa7: {  	s23 =	simm.s32 $0x1B8B  }
0xa8: {  	_ =	swait.ge [sflag:s23], $0x1  }
0xa9: {  	[sflag:s23] =	ssyncset.done $0x0  }
0xaa: {  	s25 =	simm.s32 $0x1B8E;
	s24 =	sld [smem:$0x3FFE];
	[sflag:s23] =	ssyncadd.s32 $0xFFFFFFFF  }
0xab: {  	s26 =	simm.s32 $execute0_lowered;
	[smem:$0x3FD2] =	sst s25  }
0xac: {  	s5 =	sshll.u32 s26, $0x1;
	_ =	strace $0x80000046;
	[dreg:$0x1] =	wrdreg $0xFFFFFFFF  }
0xad: {  	s28 =	simm.s32 $_size_execute0_lowered;
	s3 =	sadd.s32 s3, s5;
	[dreg:$0x0] =	wrdreg $0x0  }
0xae: {  	s5 =	sshll.u32 s28, $0x1;
	[dreg:$0x2] =	wrdreg s3  }
0xaf: {  	[dreg:$0x3] =	wrdreg s5  }
0xb0: {  	[dreg:$0x4] =	wrdreg $0xC0  }
0xb1: {  	_ =	task [dreg:s7], $0x5FFFF  }
0xb2: {  	[dreg:$0x1] =	wrdreg $0xFFFFFFFF  }
0xb3: {  	[dreg:$0x0] =	wrdreg $0x60  }
0xb4: {  	[dreg:$0x2] =	wrdreg s16  }
0xb5: {  	[dreg:$0x3] =	wrdreg s24  }
0xb6: {  	[dreg:$0x4] =	wrdreg $0x9  }
0xb7: {  	_ =	task.clear_ibuf [dreg:s7], $0x5FFFF;
	_ =	strace $0x90000046  }
0xb8: {  	s29 =	simm.s32 $0x9;
	_ =	strace $0x80000048  }
0xb9: {  	_ =	swait.ge [sflag:s29], $0x1  }
0xba: {  	[sflag:s29] =	ssyncadd.s32 $0xFFFFFFFF  }
0xbb: {  	_ =	strace $0x90000048  }
0xbc: {  	_ =	sfence  }
0xbd: {  	s30 =	sld [smem:$0x0];
	_ =	sdelay $0x2  }
0xbe: {  	s31 =	sshll.u32 s1, $0xD;
	s1 =	sshrl.u32 s1, $0x2  }
0xbf: {  	s3 =	sand.u32 $0x4000, s31;
	s1 =	sadd.s32 s1, s30  }
0xc0: {  	s0 =	sor.u32 s3, s0;
	s1 =	sshll.u32 s1, $0x11  }
0xc1: {  	s0 =	sor.u32 s1, s0  }
0xc2: {  	s0 =	sadd.s32 $0x8F2B, s0  }
0xc3: {  	[sflag:s0] =	ssyncadd.remote.s32 $0x1  }
0xc4: {  	_ =	sfence.sel $0xFFFF  }
0xc5: {  	[dreg:$0x0] =	wrdreg $0xFFFFFFFF;
	(pc) =	sbr.abs _section_cstart, $3  }
0xc6: {  	[dreg:$0x1] =	wrdreg $0xFFFFFFFF  }
0xc7: {  	_ =	task.clear_ibuf [dreg:s7], $0x2FFFF;
	_ =	strace $0x9FFFFFFF  }
0xc8: {  	(tm) =	ssettm $0x7FFFFFFF  }
0xc9: {  	_ =	shalt  }
tec
execute0_lowered:
.L_overlay_start_1:
0x0: {  	(tag) =	ssettag $0x1  }
0x1: {  	s6 =	rddreg [dreg:$0x0]  }
0x2: {  	s3 =	rddreg [dreg:$0x1]  }
0x3: {  	s0 =	rddreg [dreg:$0x2];
	s2 =	simm.s32 $0x0;
	s1 =	stileid.u32  }
0x4: {  	s4 =	srdreg.scid;
	[smem:$0x7FF] =	sst s2  }
0x5: {  	s5 =	sshll.u32 s1, $0x10;
	s4 =	sand.u32 $0x1, s4;
	s9 =	sshll.u32 s1, $0xC  }
0x6: {  	_ =	strace $0x80000047;
	s5 =	sadd.s32 s5, s3;
	s3 =	sadd.s32 $0x3400, s3  }
0x7: {  	s7 =	ssub.s32 $0x2, s4;
	s10 =	sshll.u32 s4, $0xB;
	s30 =	sshll.u32 s4, $0xF  }
0x8: {  	s8 =	sshrl.u32 s7, $0x1;
	s9 =	sor.u32 s10, s9;
	s5 =	sadd.s32 s30, s5  }
0x9: {  	s10 =	simm.s32 $0x0;
	s7 =	ssub.s32 s7, s8;
	s31 =	sshrl.u32 s9, $0x3  }
0xa: {  	s5 =	sadd.s32 $0x503400, s5;
	s8 =	simm.s32 $0x80;
	s9 =	simm.s32 $0x1  }
0xb: {  	s4 =	smax.u32 s7, $0x1;
	s6 =	sadd.s32 s31, s6;
	s7 =	simm.s32 $0x2  }
.LBB2_1:
0xc: {  	s11 =	sadd.s32 $0x0, s6  }
0xd: {  	[tilespmem:s2], [sflag:$0x2] =	stream.linear.gather [hbm4b:s11+s2], $0x80, $0x38;
	[tilespmem:$0x4080] =	vst v63  }
0xe: {  	_ =	swait.ge [sflag:s7], $0x80  }
0xf: {  	[sflag:s7] =	ssyncset.done $0x0  }
0x10: {  	[sflag:s7] =	ssyncadd.s32 $0xFFFFFF80  }
0x11: {  	[tilespmem:s8], [sflag:$0x2] =	stream.linear.gather [hbm4b:s5+s2], $0x4000, $0x38;
	[tilespmem:$0x4080] =	vst v63  }
0x12: {  	_ =	swait.ge [sflag:s7], $0x4000  }
0x13: {  	[sflag:s7] =	ssyncset.done $0x0  }
0x14: {  	[sflag:s7] =	ssyncadd.s32 $0xFFFFC000  }
0x15: {  	[hbm4b:s3+s8] =	stream.indirect.scatter [tilespmem:s8], [sflag:$0x1], $0x80, s2, s8, $0xb8;
	[tilespmem:$0x4080] =	vst v63  }
0x16: {  	s12 =	simm.s32 $0x10;
	_ =	swait.ge [sflag:s9], $0x4000  }
0x17: {  	s13 =	simm.s32 $0x20;
	s11 =	sadd.s32 $0x800, s5;
	[sflag:s9] =	ssyncset.done $0x0  }
.LBB2_2:
0x18: {  	s14 =	sadd.s32 s12, s6  }
0x19: {  	[sflag:s9] =	ssyncadd.s32 $0xFFFFC000;
	s12 =	smov.u32 s13;
	s15 =	sadd.s32 $0x10, s13  }
0x1a: {  	[tilespmem:s2], [sflag:$0x2] =	stream.linear.gather [hbm4b:s14+s2], $0x80, $0x38;
	[tilespmem:$0x4080] =	vst v63  }
0x1b: {  	p0 =	sne.s32 s13, $0xF0;
	_ =	swait.ge [sflag:s7], $0x80  }
0x1c: {  	[sflag:s7] =	ssyncset.done $0x0  }
0x1d: {  	[sflag:s7] =	ssyncadd.s32 $0xFFFFFF80  }
0x1e: {  	[tilespmem:s8], [sflag:$0x2] =	stream.linear.gather [hbm4b:s11+s2], $0x4000, $0x38;
	[tilespmem:$0x4080] =	vst v63  }
0x1f: {  	_ =	swait.ge [sflag:s7], $0x4000  }
.Ltmp0:
0x20: {  	[sflag:s7] =	ssyncset.done $0x0;
	(pc) =	sbr.rel @p0 .LBB2_2-.Ltmp0, $4  }
0x21: {  	[sflag:s7] =	ssyncadd.s32 $0xFFFFC000  }
0x22: {  	[hbm4b:s3+s8] =	stream.indirect.scatter [tilespmem:s8], [sflag:$0x1], $0x80, s2, s8, $0xb8;
	[tilespmem:$0x4080] =	vst v63  }
0x23: {  	_ =	swait.ge [sflag:s9], $0x4000  }
0x24: {  	s13 =	smov.u32 s15;
	s11 =	sadd.s32 $0x800, s11;
	[sflag:s9] =	ssyncset.done $0x0  }
0x25: {  	s12 =	sadd.s32 s12, s6;
	[sflag:s9] =	ssyncadd.s32 $0xFFFFC000  }
0x26: {  	[tilespmem:s2], [sflag:$0x2] =	stream.linear.gather [hbm4b:s12+s2], $0x80, $0x38;
	[tilespmem:$0x4080] =	vst v63  }
0x27: {  	_ =	swait.ge [sflag:s7], $0x80  }
0x28: {  	[sflag:s7] =	ssyncset.done $0x0  }
0x29: {  	[sflag:s7] =	ssyncadd.s32 $0xFFFFFF80  }
0x2a: {  	[tilespmem:s8], [sflag:$0x2] =	stream.linear.gather [hbm4b:s11+s2], $0x4000, $0x38;
	[tilespmem:$0x4080] =	vst v63  }
0x2b: {  	s10 =	sadd.s32 $0x1, s10;
	_ =	swait.ge [sflag:s7], $0x4000  }
0x2c: {  	p0 =	sne.s32 s10, s4;
	[sflag:s7] =	ssyncset.done $0x0  }
.Ltmp1:
0x2d: {  	[sflag:s7] =	ssyncadd.s32 $0xFFFFC000;
	(pc) =	sbr.rel @p0 .LBB2_1-.Ltmp1, $4  }
0x2e: {  	[hbm4b:s3+s8] =	stream.indirect.scatter [tilespmem:s8], [sflag:$0x1], $0x80, s2, s8, $0xb8;
	[tilespmem:$0x4080] =	vst v63  }
0x2f: {  	_ =	swait.ge [sflag:s9], $0x4000  }
0x30: {  	[sflag:s9] =	ssyncset.done $0x0  }
0x31: {  	[sflag:s9] =	ssyncadd.s32 $0xFFFFC000  }
0x32: {  	_ =	sfence.sel $0x180000  }
0x33: {  	[bflag:$0x0] =	sbarrier.arrive $0xFFFF  }
0x34: {  	p0 =	sne.s32 s1, $0x0;
	_ =	strace $0x90000047  }
0x35: {  	s0 =	sadd.s32 @!p0 $0x100000, s0;
	[bflag:$0x2] =	sbarrier.arrive $0xFFFF  }
0x36: {  	[sflag:s0] =	ssyncadd.tile.s32 @!p0 $0x1;
	_ =	shalt  }
.Lfunc_end2:
_tile_overlayer_lowered:
.L_overlay_start_2:
0x37: {  	(tag) =	ssettag $0x2  }
0x38: {  	s0 =	rddreg [dreg:$0x0];
	s2 =	stileid.u32  }
0x39: {  	s1 =	rddreg [dreg:$0x1];
	p0 =	sne.s32 s2, $0x0  }
0x3a: {  	s3 =	rddreg [dreg:$0x2];
	[bflag:$0x3] =	sbarrier.arrive $0xFFFF;
	s2 =	simm.s32 @!p0 $0x1C02  }
0x3b: {  	[timem:s3], [sflag:s2] =	dma.local @!p0 [hbm:s0], s1  }
0x3c: {  	s0 =	simm.s32 @!p0 $0x2  }
0x3d: {  	_ =	swait.ge @!p0 [sflag:s0], s1  }
0x3e: {  	s1 =	ssub.s32 @!p0 $0x0, s1;
	[sflag:s0] =	ssyncset.done @!p0 $0x0  }
0x3f: {  	[sflag:s0] =	ssyncadd.s32 @!p0 s1  }
0x40: {  	[bflag:$0x3] =	sbarrier.arrive $0xFFFF  }
0x41: {  	_ =	shalt  }

</sc_bundles>
